<compile_context>
chip_gen: v7x
topology: tpu7x:2x2x1
jax: 0.10.2.dev20260603
libtpu: 0.0.44.dev20260713+nightly
codegen_flags: <defaults>
</compile_context>

<pallas_src>
import functools

import jax
import jax.numpy as jnp
from jax import lax
from jax.experimental import pallas as pl
from jax.experimental.pallas import tpu as pltpu
from jax.experimental.pallas import tpu_sc as plsc

BATCH = 16384
D_OUT = 64
BM = 1000



PROJ_STEPS = 25
NSUB0 = 5
NSUB2 = 5
R0 = 10000 // PROJ_STEPS
R2 = 5000 // PROJ_STEPS
R1 = 2000 // PROJ_STEPS
S0 = R0 // NSUB0
S2 = R2 // NSUB2


def _proj_body(*refs):
    a = refs[0:NSUB0]
    b = refs[NSUB0:NSUB0 + NSUB2]
    c, d = refs[NSUB0 + NSUB2], refs[NSUB0 + NSUB2 + 1]
    w0, w1, w2, w3 = refs[NSUB0 + NSUB2 + 2:NSUB0 + NSUB2 + 6]
    o0, o1, o2, o3 = refs[NSUB0 + NSUB2 + 6:]
    for k in range(NSUB0):
        o0[S0 * k:S0 * (k + 1)] = jnp.dot(
            a[k][...], w0[...], preferred_element_type=jnp.float32)
    for k in range(NSUB2):
        o2[S2 * k:S2 * (k + 1)] = jnp.dot(
            b[k][...], w2[...], preferred_element_type=jnp.float32)
    o1[...] = jnp.dot(c[...], w1[...], preferred_element_type=jnp.float32)
    o3[...] = jnp.dot(d[...], w3[...], preferred_element_type=jnp.float32)


def _project_all(tables, weights):
    e0, e1, e2, e3 = tables

    def smap(n, k):
        return lambda i: (n * i + k, 0)

    in_specs = (
        [pl.BlockSpec((S0, e0.shape[1]), smap(NSUB0, k))
         for k in range(NSUB0)]
        + [pl.BlockSpec((S2, e2.shape[1]), smap(NSUB2, k))
           for k in range(NSUB2)]
        + [pl.BlockSpec((R1, e1.shape[1]), lambda i: (i, 0)),
           pl.BlockSpec((R1, e3.shape[1]), lambda i: (i, 0))]
        + [pl.BlockSpec(w.shape, lambda i: (0, 0)) for w in weights]
    )
    out_specs = [
        pl.BlockSpec((R0, D_OUT), lambda i: (i, 0)),
        pl.BlockSpec((R1, D_OUT), lambda i: (i, 0)),
        pl.BlockSpec((R2, D_OUT), lambda i: (i, 0)),
        pl.BlockSpec((R1, D_OUT), lambda i: (i, 0)),
    ]
    out_shape = [jax.ShapeDtypeStruct((e.shape[0], D_OUT), jnp.float32)
                 for e in tables]
    return pl.pallas_call(
        _proj_body,
        grid=(PROJ_STEPS,),
        in_specs=in_specs,
        out_specs=out_specs,
        out_shape=out_shape,
    )(*([e0] * NSUB0), *([e2] * NSUB2), e1, e3, *weights)



FBM = 4096
FSTEPS = BATCH // FBM


def _finish_body(xu, xi, wu, wi, bu, bi, g0u, g1u, g0i, g1i, ou, oi):
    pid = pl.program_id(0)

    @pl.when(pid < FSTEPS)
    def _():
        ou[...] = (jnp.dot(xu[...], wu[...],
                           preferred_element_type=jnp.float32)
                   + bu[...] + g0u[...] + g1u[...])

    @pl.when(pid >= FSTEPS)
    def _():
        oi[...] = (jnp.dot(xi[...], wi[...],
                           preferred_element_type=jnp.float32)
                   + bi[...] + g0i[...] + g1i[...])


def _finish_both(xu, wu, bu, g0u, g1u, xi, wi, bi, g0i, g1i):
    d_in = xu.shape[1]

    def umap(i):
        return (jnp.clip(i, 0, FSTEPS - 1), 0)

    def imap(i):
        return (jnp.clip(i - FSTEPS, 0, FSTEPS - 1), 0)

    big_u = pl.BlockSpec((FBM, D_OUT), umap)
    big_i = pl.BlockSpec((FBM, D_OUT), imap)
    const = lambda shape: pl.BlockSpec(shape, lambda i: (0, 0))
    return pl.pallas_call(
        _finish_body,
        grid=(2 * FSTEPS,),
        in_specs=[
            pl.BlockSpec((FBM, d_in), umap), pl.BlockSpec((FBM, d_in), imap),
            const((d_in, D_OUT)), const((d_in, D_OUT)),
            const((1, D_OUT)), const((1, D_OUT)),
            big_u, big_u, big_i, big_i,
        ],
        out_specs=[big_u, big_i],
        out_shape=[jax.ShapeDtypeStruct((BATCH, D_OUT), jnp.float32)] * 2,
    )(xu, xi, wu, wi, bu, bi, g0u, g1u, g0i, g1i)



@functools.lru_cache(maxsize=None)
def _sc_gather_fn():
    info = plsc.get_sparse_core_info()
    nc, ns = info.num_cores, info.num_subcores
    nw = nc * ns
    bpw = BATCH // nw

    mesh = plsc.VectorSubcoreMesh(core_axis_name="c", subcore_axis_name="s")

    def body(t0, t1, t2, t3, i0, i1, i2, i3, g0, g1, g2, g3,
             idx0_v, idx1_v, idx2_v, idx3_v, r0, r1, r2, gsem, wsem):
        wid = lax.axis_index("s") * nc + lax.axis_index("c")
        base = wid * bpw
        sl = pl.ds(base, bpw)
        pltpu.sync_copy(i0.at[sl], idx0_v)
        pltpu.sync_copy(i1.at[sl], idx1_v)
        pltpu.sync_copy(i2.at[sl], idx2_v)
        pltpu.sync_copy(i3.at[sl], idx3_v)
        d0 = pltpu.async_copy(t0.at[idx0_v], r0, gsem)
        d1 = pltpu.async_copy(t1.at[idx1_v], r1, gsem)
        d2 = pltpu.async_copy(t2.at[idx2_v], r2, gsem)
        d0.wait()
        w0 = pltpu.async_copy(r0, g0.at[sl], wsem)
        d1.wait()
        w1 = pltpu.async_copy(r1, g1.at[sl], wsem)
        w0.wait()
        d3 = pltpu.async_copy(t3.at[idx3_v], r0, gsem)
        d2.wait()
        w2 = pltpu.async_copy(r2, g2.at[sl], wsem)
        d3.wait()
        w3 = pltpu.async_copy(r0, g3.at[sl], wsem)
        w1.wait()
        w2.wait()
        w3.wait()

    out = jax.ShapeDtypeStruct((BATCH, D_OUT), jnp.float32)
    return pl.kernel(
        body,
        out_type=(out, out, out, out),
        mesh=mesh,
        scratch_types=[
            pltpu.VMEM((bpw,), jnp.int32),
            pltpu.VMEM((bpw,), jnp.int32),
            pltpu.VMEM((bpw,), jnp.int32),
            pltpu.VMEM((bpw,), jnp.int32),
            pltpu.VMEM((bpw, D_OUT), jnp.float32),
            pltpu.VMEM((bpw, D_OUT), jnp.float32),
            pltpu.VMEM((bpw, D_OUT), jnp.float32),
            pltpu.SemaphoreType.DMA,
            pltpu.SemaphoreType.DMA,
        ],
        compiler_params=pltpu.CompilerParams(use_tc_tiling_on_sc=False),
    )



def kernel(x_user, x_item, emb_user_0, emb_user_1, emb_item_0, emb_item_1,
           W_user, b_user, W_item, b_item):
    d_in = x_user.shape[1]
    d0u = emb_user_0.shape[1]
    d0i = emb_item_0.shape[1]

    idx0u = x_user[:, 0].astype(jnp.int32)
    idx1u = x_user[:, 1].astype(jnp.int32)
    idx0i = x_item[:, 0].astype(jnp.int32)
    idx1i = x_item[:, 1].astype(jnp.int32)

    t0u, t1u, t0i, t1i = _project_all(
        (emb_user_0, emb_user_1, emb_item_0, emb_item_1),
        (W_user[d_in:d_in + d0u], W_user[d_in + d0u:],
         W_item[d_in:d_in + d0i], W_item[d_in + d0i:]))

    g0u, g1u, g0i, g1i = _sc_gather_fn()(
        t0u, t1u, t0i, t1i, idx0u, idx1u, idx0i, idx1i)

    return _finish_both(
        x_user, W_user[:d_in], b_user.reshape(1, -1), g0u, g1u,
        x_item, W_item[:d_in], b_item.reshape(1, -1), g0i, g1i)

# --- scband reference (transcript-rebuilt; emitter-appended) ---
"""Pipeline reference for scband-feature-emb-layer-88502096101935 (READ-ONLY COPY).

The authoritative reference and input builder live on the scoring server;
editing this copy changes nothing except your own understanding.
"""

import jax, jax.numpy as jnp
import numpy as np

BATCH = 16384
D_IN = 64


def _make_x(k, vocab0, vocab1):
    k1, k2, k3 = jax.random.split(k, 3)
    x = jax.random.normal(k1, (BATCH, D_IN), dtype=jnp.float32)
    id0 = jax.random.randint(k2, (BATCH,), 0, vocab0).astype(jnp.float32)
    id1 = jax.random.randint(k3, (BATCH,), 0, vocab1).astype(jnp.float32)
    x = x.at[:, 0].set(id0).at[:, 1].set(id1)
    return x


def setup_inputs(seed: int = 0):
    key = jax.random.key(seed)
    ks = jax.random.split(key, 10)
    x_user = _make_x(ks[0], 10000, 2000)
    x_item = _make_x(ks[1], 5000, 2000)
    # embedding tables sized int(n) x int(n // 5), per the torch module
    emb_user_0 = jax.random.normal(ks[2], (10000, 2000), dtype=jnp.float32) * 0.02
    emb_user_1 = jax.random.normal(ks[3], (2000, 400), dtype=jnp.float32) * 0.02
    emb_item_0 = jax.random.normal(ks[4], (5000, 1000), dtype=jnp.float32) * 0.02
    emb_item_1 = jax.random.normal(ks[5], (2000, 400), dtype=jnp.float32) * 0.02
    # NOTE: in the torch code, `if i not in self.category_feat_indices` tests membership
    # against the DICT KEYS (strings), so every integer column index is kept in
    # num_feat_indices. Hence inputs_temp == the full input and the Linear in-dim is
    # D_IN + sum(n // 5).
    W_user = jax.random.normal(ks[6], (D_IN + 2000 + 400, 64), dtype=jnp.float32) * 0.02
    b_user = jnp.zeros((64,), dtype=jnp.float32)
    W_item = jax.random.normal(ks[7], (D_IN + 1000 + 400, 64), dtype=jnp.float32) * 0.02
    b_item = jnp.zeros((64,), dtype=jnp.float32)
    return {
        "x_user": x_user, "x_item": x_item,
        "emb_user_0": emb_user_0, "emb_user_1": emb_user_1,
        "emb_item_0": emb_item_0, "emb_item_1": emb_item_1,
        "W_user": W_user, "b_user": b_user,
        "W_item": W_item, "b_item": b_item,
    }


def reference(x_user, x_item, emb_user_0, emb_user_1, emb_item_0, emb_item_1,
              W_user, b_user, W_item, b_item):
    def proc(x, e0, e1, W, b):
        # num_feat_indices keeps ALL columns (dict-key membership bug in the torch code)
        inputs_temp = x
        idx0 = x[:, 0].astype(jnp.int32)
        idx1 = x[:, 1].astype(jnp.int32)
        c0 = jnp.take(e0, idx0, axis=0)
        c1 = jnp.take(e1, idx1, axis=0)
        feat = jnp.concatenate([inputs_temp, jnp.concatenate([c0, c1], axis=1)], axis=1)
        return feat @ W + b
    out_user = proc(x_user, emb_user_0, emb_user_1, W_user, b_user)
    out_item = proc(x_item, emb_item_0, emb_item_1, W_item, b_item)
    return out_user, out_item

if __name__ == "__main__":
    import jax
    _d = setup_inputs()
    print(jax.jit(kernel)(*tuple(_d.values())))

</pallas_src>

<mosaic_0001>
#map = affine_map<(d0, d1) -> (0, 0)>
#map1 = affine_map<(d0, d1) -> (0)>
module attributes {stable_mosaic.version = 14 : i64} {
  func.func @body(%arg0: i32, %arg1: i32, %arg2: memref<10000x64xf32, #tpu.memory_space<hbm>>, %arg3: memref<2000x64xf32, #tpu.memory_space<hbm>>, %arg4: memref<5000x64xf32, #tpu.memory_space<hbm>>, %arg5: memref<2000x64xf32, #tpu.memory_space<hbm>>, %arg6: memref<16384xi32, #tpu.memory_space<hbm>>, %arg7: memref<16384xi32, #tpu.memory_space<hbm>>, %arg8: memref<16384xi32, #tpu.memory_space<hbm>>, %arg9: memref<16384xi32, #tpu.memory_space<hbm>>, %arg10: memref<16384x64xf32, #tpu.memory_space<hbm>>, %arg11: memref<16384x64xf32, #tpu.memory_space<hbm>>, %arg12: memref<16384x64xf32, #tpu.memory_space<hbm>>, %arg13: memref<16384x64xf32, #tpu.memory_space<hbm>>, %arg14: memref<512xi32, #tpu.memory_space<vmem>>, %arg15: memref<512xi32, #tpu.memory_space<vmem>>, %arg16: memref<512xi32, #tpu.memory_space<vmem>>, %arg17: memref<512xi32, #tpu.memory_space<vmem>>, %arg18: memref<512x64xf32, #tpu.memory_space<vmem>>, %arg19: memref<512x64xf32, #tpu.memory_space<vmem>>, %arg20: memref<512x64xf32, #tpu.memory_space<vmem>>, %arg21: memref<!tpu.dma_semaphore, #tpu.memory_space<semaphore_mem>>, %arg22: memref<!tpu.dma_semaphore, #tpu.memory_space<semaphore_mem>>) attributes {dimension_semantics = [#tpu.dimension_semantics<core_parallel>, #tpu.dimension_semantics<subcore_parallel>], iteration_bounds = array<i64: 2, 16>, scalar_prefetch = 0 : i64, scratch_operands = 9 : i64, tpu.core_type = #tpu.core_type<sc_vector_subcore>, window_params = [{transform_indices = #map}, {transform_indices = #map}, {transform_indices = #map}, {transform_indices = #map}, {transform_indices = #map1}, {transform_indices = #map1}, {transform_indices = #map1}, {transform_indices = #map1}, {transform_indices = #map}, {transform_indices = #map}, {transform_indices = #map}, {transform_indices = #map}]} {
    %mul3A = arith.constant 2 : i32
    %mul3A_0 = arith.muli %arg1, %mul3A : i32
    %add3A = arith.addi %mul3A_0, %arg0 : i32
    %mul3A_1 = arith.constant 512 : i32
    %mul3A_2 = arith.muli %add3A, %mul3A_1 : i32
    "tpu.region"() ({
      %run_scoped3A = tpu.sem_alloc : memref<!tpu.dma_semaphore, #tpu.memory_space<semaphore_mem>>
      %dma_start3A_57 = tpu.memref_slice %arg6[%mul3A_2] : memref<16384xi32, #tpu.memory_space<hbm>> -> memref<512xi32, #tpu.memory_space<hbm>>
      %dma_start3A_58 = tpu.memref_slice %arg6[%mul3A_2] : memref<16384xi32, #tpu.memory_space<hbm>> -> memref<512xi32, #tpu.memory_space<hbm>>
      tpu.enqueue_dma source(%dma_start3A_58 : memref<512xi32, #tpu.memory_space<hbm>>) target(%arg14 : memref<512xi32, #tpu.memory_space<vmem>>) target_semaphore(%run_scoped3A : memref<!tpu.dma_semaphore, #tpu.memory_space<semaphore_mem>>)
      %dma_wait3A_59 = tpu.memref_slice %arg6[%mul3A_2] : memref<16384xi32, #tpu.memory_space<hbm>> -> memref<512xi32, #tpu.memory_space<hbm>>
      %dma_wait3A_60 = tpu.memref_slice %arg6[%mul3A_2] : memref<16384xi32, #tpu.memory_space<hbm>> -> memref<512xi32, #tpu.memory_space<hbm>>
      tpu.wait_dma2 semaphore(%run_scoped3A : memref<!tpu.dma_semaphore, #tpu.memory_space<semaphore_mem>>) src(%dma_wait3A_60 : memref<512xi32, #tpu.memory_space<hbm>>) dst(%arg14 : memref<512xi32, #tpu.memory_space<vmem>>)
      tpu.yield
    }) : () -> ()
    "tpu.region"() ({
      %run_scoped3A = tpu.sem_alloc : memref<!tpu.dma_semaphore, #tpu.memory_space<semaphore_mem>>
      %dma_start3A_57 = tpu.memref_slice %arg7[%mul3A_2] : memref<16384xi32, #tpu.memory_space<hbm>> -> memref<512xi32, #tpu.memory_space<hbm>>
      %dma_start3A_58 = tpu.memref_slice %arg7[%mul3A_2] : memref<16384xi32, #tpu.memory_space<hbm>> -> memref<512xi32, #tpu.memory_space<hbm>>
      tpu.enqueue_dma source(%dma_start3A_58 : memref<512xi32, #tpu.memory_space<hbm>>) target(%arg15 : memref<512xi32, #tpu.memory_space<vmem>>) target_semaphore(%run_scoped3A : memref<!tpu.dma_semaphore, #tpu.memory_space<semaphore_mem>>)
      %dma_wait3A_59 = tpu.memref_slice %arg7[%mul3A_2] : memref<16384xi32, #tpu.memory_space<hbm>> -> memref<512xi32, #tpu.memory_space<hbm>>
      %dma_wait3A_60 = tpu.memref_slice %arg7[%mul3A_2] : memref<16384xi32, #tpu.memory_space<hbm>> -> memref<512xi32, #tpu.memory_space<hbm>>
      tpu.wait_dma2 semaphore(%run_scoped3A : memref<!tpu.dma_semaphore, #tpu.memory_space<semaphore_mem>>) src(%dma_wait3A_60 : memref<512xi32, #tpu.memory_space<hbm>>) dst(%arg15 : memref<512xi32, #tpu.memory_space<vmem>>)
      tpu.yield
    }) : () -> ()
    "tpu.region"() ({
      %run_scoped3A = tpu.sem_alloc : memref<!tpu.dma_semaphore, #tpu.memory_space<semaphore_mem>>
      %dma_start3A_57 = tpu.memref_slice %arg8[%mul3A_2] : memref<16384xi32, #tpu.memory_space<hbm>> -> memref<512xi32, #tpu.memory_space<hbm>>
      %dma_start3A_58 = tpu.memref_slice %arg8[%mul3A_2] : memref<16384xi32, #tpu.memory_space<hbm>> -> memref<512xi32, #tpu.memory_space<hbm>>
      tpu.enqueue_dma source(%dma_start3A_58 : memref<512xi32, #tpu.memory_space<hbm>>) target(%arg16 : memref<512xi32, #tpu.memory_space<vmem>>) target_semaphore(%run_scoped3A : memref<!tpu.dma_semaphore, #tpu.memory_space<semaphore_mem>>)
      %dma_wait3A_59 = tpu.memref_slice %arg8[%mul3A_2] : memref<16384xi32, #tpu.memory_space<hbm>> -> memref<512xi32, #tpu.memory_space<hbm>>
      %dma_wait3A_60 = tpu.memref_slice %arg8[%mul3A_2] : memref<16384xi32, #tpu.memory_space<hbm>> -> memref<512xi32, #tpu.memory_space<hbm>>
      tpu.wait_dma2 semaphore(%run_scoped3A : memref<!tpu.dma_semaphore, #tpu.memory_space<semaphore_mem>>) src(%dma_wait3A_60 : memref<512xi32, #tpu.memory_space<hbm>>) dst(%arg16 : memref<512xi32, #tpu.memory_space<vmem>>)
      tpu.yield
    }) : () -> ()
    "tpu.region"() ({
      %run_scoped3A = tpu.sem_alloc : memref<!tpu.dma_semaphore, #tpu.memory_space<semaphore_mem>>
      %dma_start3A_57 = tpu.memref_slice %arg9[%mul3A_2] : memref<16384xi32, #tpu.memory_space<hbm>> -> memref<512xi32, #tpu.memory_space<hbm>>
      %dma_start3A_58 = tpu.memref_slice %arg9[%mul3A_2] : memref<16384xi32, #tpu.memory_space<hbm>> -> memref<512xi32, #tpu.memory_space<hbm>>
      tpu.enqueue_dma source(%dma_start3A_58 : memref<512xi32, #tpu.memory_space<hbm>>) target(%arg17 : memref<512xi32, #tpu.memory_space<vmem>>) target_semaphore(%run_scoped3A : memref<!tpu.dma_semaphore, #tpu.memory_space<semaphore_mem>>)
      %dma_wait3A_59 = tpu.memref_slice %arg9[%mul3A_2] : memref<16384xi32, #tpu.memory_space<hbm>> -> memref<512xi32, #tpu.memory_space<hbm>>
      %dma_wait3A_60 = tpu.memref_slice %arg9[%mul3A_2] : memref<16384xi32, #tpu.memory_space<hbm>> -> memref<512xi32, #tpu.memory_space<hbm>>
      tpu.wait_dma2 semaphore(%run_scoped3A : memref<!tpu.dma_semaphore, #tpu.memory_space<semaphore_mem>>) src(%dma_wait3A_60 : memref<512xi32, #tpu.memory_space<hbm>>) dst(%arg17 : memref<512xi32, #tpu.memory_space<vmem>>)
      tpu.yield
    }) : () -> ()
    %dma_start3A = arith.constant 0 : i32
    %dma_start3A_3 = arith.constant 0 : i32
    %dma_start3A_4 = tpu.memref_slice %arg2[%dma_start3A, %dma_start3A_3] : memref<10000x64xf32, #tpu.memory_space<hbm>> -> memref<10000x64xf32, #tpu.memory_space<hbm>>
    tpu.enqueue_indirect_dma source(%dma_start3A_4 : memref<10000x64xf32, #tpu.memory_space<hbm>>) target(%arg18 : memref<512x64xf32, #tpu.memory_space<vmem>>) offsets(%arg14 : memref<512xi32, #tpu.memory_space<vmem>>) semaphore(%arg21 : memref<!tpu.dma_semaphore, #tpu.memory_space<semaphore_mem>>)
    %dma_start3A_5 = arith.constant 0 : i32
    %dma_start3A_6 = arith.constant 0 : i32
    %dma_start3A_7 = tpu.memref_slice %arg3[%dma_start3A_5, %dma_start3A_6] : memref<2000x64xf32, #tpu.memory_space<hbm>> -> memref<2000x64xf32, #tpu.memory_space<hbm>>
    tpu.enqueue_indirect_dma source(%dma_start3A_7 : memref<2000x64xf32, #tpu.memory_space<hbm>>) target(%arg19 : memref<512x64xf32, #tpu.memory_space<vmem>>) offsets(%arg15 : memref<512xi32, #tpu.memory_space<vmem>>) semaphore(%arg21 : memref<!tpu.dma_semaphore, #tpu.memory_space<semaphore_mem>>)
    %dma_start3A_8 = arith.constant 0 : i32
    %dma_start3A_9 = arith.constant 0 : i32
    %dma_start3A_10 = tpu.memref_slice %arg4[%dma_start3A_8, %dma_start3A_9] : memref<5000x64xf32, #tpu.memory_space<hbm>> -> memref<5000x64xf32, #tpu.memory_space<hbm>>
    tpu.enqueue_indirect_dma source(%dma_start3A_10 : memref<5000x64xf32, #tpu.memory_space<hbm>>) target(%arg20 : memref<512x64xf32, #tpu.memory_space<vmem>>) offsets(%arg16 : memref<512xi32, #tpu.memory_space<vmem>>) semaphore(%arg21 : memref<!tpu.dma_semaphore, #tpu.memory_space<semaphore_mem>>)
    %dma_wait3A = arith.constant 0 : i32
    %dma_wait3A_11 = arith.constant 0 : i32
    %dma_wait3A_12 = tpu.memref_slice %arg2[%dma_wait3A, %dma_wait3A_11] : memref<10000x64xf32, #tpu.memory_space<hbm>> -> memref<10000x64xf32, #tpu.memory_space<hbm>>
    tpu.wait_indirect_dma semaphore(%arg21 : memref<!tpu.dma_semaphore, #tpu.memory_space<semaphore_mem>>) src(%dma_wait3A_12 : memref<10000x64xf32, #tpu.memory_space<hbm>>) dst(%arg18 : memref<512x64xf32, #tpu.memory_space<vmem>>)
    %dma_start3A_13 = arith.constant 0 : i32
    %dma_start3A_14 = tpu.memref_slice %arg10[%mul3A_2, %dma_start3A_13] : memref<16384x64xf32, #tpu.memory_space<hbm>> -> memref<512x64xf32, #tpu.memory_space<hbm>>
    %dma_start3A_15 = arith.constant 0 : i32
    %dma_start3A_16 = tpu.memref_slice %arg10[%mul3A_2, %dma_start3A_15] : memref<16384x64xf32, #tpu.memory_space<hbm>> -> memref<512x64xf32, #tpu.memory_space<hbm>>
    tpu.enqueue_dma source(%arg18 : memref<512x64xf32, #tpu.memory_space<vmem>>) target(%dma_start3A_16 : memref<512x64xf32, #tpu.memory_space<hbm>>) target_semaphore(%arg22 : memref<!tpu.dma_semaphore, #tpu.memory_space<semaphore_mem>>)
    %dma_wait3A_17 = arith.constant 0 : i32
    %dma_wait3A_18 = arith.constant 0 : i32
    %dma_wait3A_19 = tpu.memref_slice %arg3[%dma_wait3A_17, %dma_wait3A_18] : memref<2000x64xf32, #tpu.memory_space<hbm>> -> memref<2000x64xf32, #tpu.memory_space<hbm>>
    tpu.wait_indirect_dma semaphore(%arg21 : memref<!tpu.dma_semaphore, #tpu.memory_space<semaphore_mem>>) src(%dma_wait3A_19 : memref<2000x64xf32, #tpu.memory_space<hbm>>) dst(%arg19 : memref<512x64xf32, #tpu.memory_space<vmem>>)
    %dma_start3A_20 = arith.constant 0 : i32
    %dma_start3A_21 = tpu.memref_slice %arg11[%mul3A_2, %dma_start3A_20] : memref<16384x64xf32, #tpu.memory_space<hbm>> -> memref<512x64xf32, #tpu.memory_space<hbm>>
    %dma_start3A_22 = arith.constant 0 : i32
    %dma_start3A_23 = tpu.memref_slice %arg11[%mul3A_2, %dma_start3A_22] : memref<16384x64xf32, #tpu.memory_space<hbm>> -> memref<512x64xf32, #tpu.memory_space<hbm>>
    tpu.enqueue_dma source(%arg19 : memref<512x64xf32, #tpu.memory_space<vmem>>) target(%dma_start3A_23 : memref<512x64xf32, #tpu.memory_space<hbm>>) target_semaphore(%arg22 : memref<!tpu.dma_semaphore, #tpu.memory_space<semaphore_mem>>)
    %dma_wait3A_24 = arith.constant 0 : i32
    %dma_wait3A_25 = tpu.memref_slice %arg10[%mul3A_2, %dma_wait3A_24] : memref<16384x64xf32, #tpu.memory_space<hbm>> -> memref<512x64xf32, #tpu.memory_space<hbm>>
    %dma_wait3A_26 = arith.constant 0 : i32
    %dma_wait3A_27 = tpu.memref_slice %arg10[%mul3A_2, %dma_wait3A_26] : memref<16384x64xf32, #tpu.memory_space<hbm>> -> memref<512x64xf32, #tpu.memory_space<hbm>>
    tpu.wait_dma2 semaphore(%arg22 : memref<!tpu.dma_semaphore, #tpu.memory_space<semaphore_mem>>) src(%arg18 : memref<512x64xf32, #tpu.memory_space<vmem>>) dst(%dma_wait3A_27 : memref<512x64xf32, #tpu.memory_space<hbm>>)
    %dma_start3A_28 = arith.constant 0 : i32
    %dma_start3A_29 = arith.constant 0 : i32
    %dma_start3A_30 = tpu.memref_slice %arg5[%dma_start3A_28, %dma_start3A_29] : memref<2000x64xf32, #tpu.memory_space<hbm>> -> memref<2000x64xf32, #tpu.memory_space<hbm>>
    tpu.enqueue_indirect_dma source(%dma_start3A_30 : memref<2000x64xf32, #tpu.memory_space<hbm>>) target(%arg18 : memref<512x64xf32, #tpu.memory_space<vmem>>) offsets(%arg17 : memref<512xi32, #tpu.memory_space<vmem>>) semaphore(%arg21 : memref<!tpu.dma_semaphore, #tpu.memory_space<semaphore_mem>>)
    %dma_wait3A_31 = arith.constant 0 : i32
    %dma_wait3A_32 = arith.constant 0 : i32
    %dma_wait3A_33 = tpu.memref_slice %arg4[%dma_wait3A_31, %dma_wait3A_32] : memref<5000x64xf32, #tpu.memory_space<hbm>> -> memref<5000x64xf32, #tpu.memory_space<hbm>>
    tpu.wait_indirect_dma semaphore(%arg21 : memref<!tpu.dma_semaphore, #tpu.memory_space<semaphore_mem>>) src(%dma_wait3A_33 : memref<5000x64xf32, #tpu.memory_space<hbm>>) dst(%arg20 : memref<512x64xf32, #tpu.memory_space<vmem>>)
    %dma_start3A_34 = arith.constant 0 : i32
    %dma_start3A_35 = tpu.memref_slice %arg12[%mul3A_2, %dma_start3A_34] : memref<16384x64xf32, #tpu.memory_space<hbm>> -> memref<512x64xf32, #tpu.memory_space<hbm>>
    %dma_start3A_36 = arith.constant 0 : i32
    %dma_start3A_37 = tpu.memref_slice %arg12[%mul3A_2, %dma_start3A_36] : memref<16384x64xf32, #tpu.memory_space<hbm>> -> memref<512x64xf32, #tpu.memory_space<hbm>>
    tpu.enqueue_dma source(%arg20 : memref<512x64xf32, #tpu.memory_space<vmem>>) target(%dma_start3A_37 : memref<512x64xf32, #tpu.memory_space<hbm>>) target_semaphore(%arg22 : memref<!tpu.dma_semaphore, #tpu.memory_space<semaphore_mem>>)
    %dma_wait3A_38 = arith.constant 0 : i32
    %dma_wait3A_39 = arith.constant 0 : i32
    %dma_wait3A_40 = tpu.memref_slice %arg5[%dma_wait3A_38, %dma_wait3A_39] : memref<2000x64xf32, #tpu.memory_space<hbm>> -> memref<2000x64xf32, #tpu.memory_space<hbm>>
    tpu.wait_indirect_dma semaphore(%arg21 : memref<!tpu.dma_semaphore, #tpu.memory_space<semaphore_mem>>) src(%dma_wait3A_40 : memref<2000x64xf32, #tpu.memory_space<hbm>>) dst(%arg18 : memref<512x64xf32, #tpu.memory_space<vmem>>)
    %dma_start3A_41 = arith.constant 0 : i32
    %dma_start3A_42 = tpu.memref_slice %arg13[%mul3A_2, %dma_start3A_41] : memref<16384x64xf32, #tpu.memory_space<hbm>> -> memref<512x64xf32, #tpu.memory_space<hbm>>
    %dma_start3A_43 = arith.constant 0 : i32
    %dma_start3A_44 = tpu.memref_slice %arg13[%mul3A_2, %dma_start3A_43] : memref<16384x64xf32, #tpu.memory_space<hbm>> -> memref<512x64xf32, #tpu.memory_space<hbm>>
    tpu.enqueue_dma source(%arg18 : memref<512x64xf32, #tpu.memory_space<vmem>>) target(%dma_start3A_44 : memref<512x64xf32, #tpu.memory_space<hbm>>) target_semaphore(%arg22 : memref<!tpu.dma_semaphore, #tpu.memory_space<semaphore_mem>>)
    %dma_wait3A_45 = arith.constant 0 : i32
    %dma_wait3A_46 = tpu.memref_slice %arg11[%mul3A_2, %dma_wait3A_45] : memref<16384x64xf32, #tpu.memory_space<hbm>> -> memref<512x64xf32, #tpu.memory_space<hbm>>
    %dma_wait3A_47 = arith.constant 0 : i32
    %dma_wait3A_48 = tpu.memref_slice %arg11[%mul3A_2, %dma_wait3A_47] : memref<16384x64xf32, #tpu.memory_space<hbm>> -> memref<512x64xf32, #tpu.memory_space<hbm>>
    tpu.wait_dma2 semaphore(%arg22 : memref<!tpu.dma_semaphore, #tpu.memory_space<semaphore_mem>>) src(%arg19 : memref<512x64xf32, #tpu.memory_space<vmem>>) dst(%dma_wait3A_48 : memref<512x64xf32, #tpu.memory_space<hbm>>)
    %dma_wait3A_49 = arith.constant 0 : i32
    %dma_wait3A_50 = tpu.memref_slice %arg12[%mul3A_2, %dma_wait3A_49] : memref<16384x64xf32, #tpu.memory_space<hbm>> -> memref<512x64xf32, #tpu.memory_space<hbm>>
    %dma_wait3A_51 = arith.constant 0 : i32
    %dma_wait3A_52 = tpu.memref_slice %arg12[%mul3A_2, %dma_wait3A_51] : memref<16384x64xf32, #tpu.memory_space<hbm>> -> memref<512x64xf32, #tpu.memory_space<hbm>>
    tpu.wait_dma2 semaphore(%arg22 : memref<!tpu.dma_semaphore, #tpu.memory_space<semaphore_mem>>) src(%arg20 : memref<512x64xf32, #tpu.memory_space<vmem>>) dst(%dma_wait3A_52 : memref<512x64xf32, #tpu.memory_space<hbm>>)
    %dma_wait3A_53 = arith.constant 0 : i32
    %dma_wait3A_54 = tpu.memref_slice %arg13[%mul3A_2, %dma_wait3A_53] : memref<16384x64xf32, #tpu.memory_space<hbm>> -> memref<512x64xf32, #tpu.memory_space<hbm>>
    %dma_wait3A_55 = arith.constant 0 : i32
    %dma_wait3A_56 = tpu.memref_slice %arg13[%mul3A_2, %dma_wait3A_55] : memref<16384x64xf32, #tpu.memory_space<hbm>> -> memref<512x64xf32, #tpu.memory_space<hbm>>
    tpu.wait_dma2 semaphore(%arg22 : memref<!tpu.dma_semaphore, #tpu.memory_space<semaphore_mem>>) src(%arg18 : memref<512x64xf32, #tpu.memory_space<vmem>>) dst(%dma_wait3A_56 : memref<512x64xf32, #tpu.memory_space<hbm>>)
    return
  }
}

module attributes {stable_mosaic.version = 14 : i64} {
  func.func @_proj_body(%arg0: i32, %arg1: memref<80x2000xf32, #tpu.memory_space<vmem>>, %arg2: memref<80x2000xf32, #tpu.memory_space<vmem>>, %arg3: memref<80x2000xf32, #tpu.memory_space<vmem>>, %arg4: memref<80x2000xf32, #tpu.memory_space<vmem>>, %arg5: memref<80x2000xf32, #tpu.memory_space<vmem>>, %arg6: memref<40x1000xf32, #tpu.memory_space<vmem>>, %arg7: memref<40x1000xf32, #tpu.memory_space<vmem>>, %arg8: memref<40x1000xf32, #tpu.memory_space<vmem>>, %arg9: memref<40x1000xf32, #tpu.memory_space<vmem>>, %arg10: memref<40x1000xf32, #tpu.memory_space<vmem>>, %arg11: memref<80x400xf32, #tpu.memory_space<vmem>>, %arg12: memref<80x400xf32, #tpu.memory_space<vmem>>, %arg13: memref<2000x64xf32, #tpu.memory_space<vmem>>, %arg14: memref<400x64xf32, #tpu.memory_space<vmem>>, %arg15: memref<1000x64xf32, #tpu.memory_space<vmem>>, %arg16: memref<400x64xf32, #tpu.memory_space<vmem>>, %arg17: memref<400x64xf32, #tpu.memory_space<vmem>>, %arg18: memref<80x64xf32, #tpu.memory_space<vmem>>, %arg19: memref<200x64xf32, #tpu.memory_space<vmem>>, %arg20: memref<80x64xf32, #tpu.memory_space<vmem>>) attributes {dimension_semantics = [#tpu.dimension_semantics<arbitrary>], iteration_bounds = array<i64: 25>, scalar_prefetch = 0 : i64, scratch_operands = 0 : i64, tpu.core_type = #tpu.core_type<tc>, window_params = [{transform_indices = @transform_0, window_bounds = array<i64: 80, 2000>}, {transform_indices = @transform_1, window_bounds = array<i64: 80, 2000>}, {transform_indices = @transform_2, window_bounds = array<i64: 80, 2000>}, {transform_indices = @transform_3, window_bounds = array<i64: 80, 2000>}, {transform_indices = @transform_4, window_bounds = array<i64: 80, 2000>}, {transform_indices = @transform_5, window_bounds = array<i64: 40, 1000>}, {transform_indices = @transform_6, window_bounds = array<i64: 40, 1000>}, {transform_indices = @transform_7, window_bounds = array<i64: 40, 1000>}, {transform_indices = @transform_8, window_bounds = array<i64: 40, 1000>}, {transform_indices = @transform_9, window_bounds = array<i64: 40, 1000>}, {transform_indices = @transform_10, window_bounds = array<i64: 80, 400>}, {transform_indices = @transform_11, window_bounds = array<i64: 80, 400>}, {pipeline_mode = #tpu.pipeline_mode<synchronous>, transform_indices = @transform_12, window_bounds = array<i64: 2000, 64>}, {pipeline_mode = #tpu.pipeline_mode<synchronous>, transform_indices = @transform_13, window_bounds = array<i64: 400, 64>}, {pipeline_mode = #tpu.pipeline_mode<synchronous>, transform_indices = @transform_14, window_bounds = array<i64: 1000, 64>}, {pipeline_mode = #tpu.pipeline_mode<synchronous>, transform_indices = @transform_15, window_bounds = array<i64: 400, 64>}, {transform_indices = @transform_16, window_bounds = array<i64: 400, 64>}, {transform_indices = @transform_17, window_bounds = array<i64: 80, 64>}, {transform_indices = @transform_18, window_bounds = array<i64: 200, 64>}, {transform_indices = @transform_19, window_bounds = array<i64: 80, 64>}]} {
    %get3A = arith.constant 0 : index
    %get3A_0 = arith.constant 0 : index
    %get3A_1 = vector.load %arg1[%get3A, %get3A_0] : memref<80x2000xf32, #tpu.memory_space<vmem>>, vector<80x2000xf32>
    %get3A_2 = arith.constant 0 : index
    %get3A_3 = arith.constant 0 : index
    %get3A_4 = vector.load %arg13[%get3A_2, %get3A_3] : memref<2000x64xf32, #tpu.memory_space<vmem>>, vector<2000x64xf32>
    %dot_general3A = arith.constant dense<0.000000e+00> : vector<80x64xf32>
    %dot_general3A_5 = tpu.matmul %get3A_1, %get3A_4, %dot_general3A {dimension_numbers = #tpu.dot_dimension_numbers<[1], [0], [0], [1], [0, 0, 1, 1], [], []>, transpose_lhs_hint = false} : vector<80x2000xf32>, vector<2000x64xf32>, vector<80x64xf32> -> vector<80x64xf32>
    %swap3A = arith.constant 0 : index
    %swap3A_6 = arith.constant 0 : index
    %swap3A_7 = vector.load %arg17[%swap3A, %swap3A_6] : memref<400x64xf32, #tpu.memory_space<vmem>>, vector<80x64xf32>
    tpu.vector_store %arg17[%swap3A, %swap3A_6], %dot_general3A_5 {strides = array<i32>} : memref<400x64xf32, #tpu.memory_space<vmem>>, vector<80x64xf32>,
    %get3A_8 = arith.constant 0 : index
    %get3A_9 = arith.constant 0 : index
    %get3A_10 = vector.load %arg2[%get3A_8, %get3A_9] : memref<80x2000xf32, #tpu.memory_space<vmem>>, vector<80x2000xf32>
    %get3A_11 = arith.constant 0 : index
    %get3A_12 = arith.constant 0 : index
    %get3A_13 = vector.load %arg13[%get3A_11, %get3A_12] : memref<2000x64xf32, #tpu.memory_space<vmem>>, vector<2000x64xf32>
    %dot_general3A_14 = arith.constant dense<0.000000e+00> : vector<80x64xf32>
    %dot_general3A_15 = tpu.matmul %get3A_10, %get3A_13, %dot_general3A_14 {dimension_numbers = #tpu.dot_dimension_numbers<[1], [0], [0], [1], [0, 0, 1, 1], [], []>, transpose_lhs_hint = false} : vector<80x2000xf32>, vector<2000x64xf32>, vector<80x64xf32> -> vector<80x64xf32>
    %swap3A_16 = arith.constant 80 : index
    %swap3A_17 = arith.constant 0 : index
    %swap3A_18 = vector.load %arg17[%swap3A_16, %swap3A_17] : memref<400x64xf32, #tpu.memory_space<vmem>>, vector<80x64xf32>
    tpu.vector_store %arg17[%swap3A_16, %swap3A_17], %dot_general3A_15 {strides = array<i32>} : memref<400x64xf32, #tpu.memory_space<vmem>>, vector<80x64xf32>,
    %get3A_19 = arith.constant 0 : index
    %get3A_20 = arith.constant 0 : index
    %get3A_21 = vector.load %arg3[%get3A_19, %get3A_20] : memref<80x2000xf32, #tpu.memory_space<vmem>>, vector<80x2000xf32>
    %get3A_22 = arith.constant 0 : index
    %get3A_23 = arith.constant 0 : index
    %get3A_24 = vector.load %arg13[%get3A_22, %get3A_23] : memref<2000x64xf32, #tpu.memory_space<vmem>>, vector<2000x64xf32>
    %dot_general3A_25 = arith.constant dense<0.000000e+00> : vector<80x64xf32>
    %dot_general3A_26 = tpu.matmul %get3A_21, %get3A_24, %dot_general3A_25 {dimension_numbers = #tpu.dot_dimension_numbers<[1], [0], [0], [1], [0, 0, 1, 1], [], []>, transpose_lhs_hint = false} : vector<80x2000xf32>, vector<2000x64xf32>, vector<80x64xf32> -> vector<80x64xf32>
    %swap3A_27 = arith.constant 160 : index
    %swap3A_28 = arith.constant 0 : index
    %swap3A_29 = vector.load %arg17[%swap3A_27, %swap3A_28] : memref<400x64xf32, #tpu.memory_space<vmem>>, vector<80x64xf32>
    tpu.vector_store %arg17[%swap3A_27, %swap3A_28], %dot_general3A_26 {strides = array<i32>} : memref<400x64xf32, #tpu.memory_space<vmem>>, vector<80x64xf32>,
    %get3A_30 = arith.constant 0 : index
    %get3A_31 = arith.constant 0 : index
    %get3A_32 = vector.load %arg4[%get3A_30, %get3A_31] : memref<80x2000xf32, #tpu.memory_space<vmem>>, vector<80x2000xf32>
    %get3A_33 = arith.constant 0 : index
    %get3A_34 = arith.constant 0 : index
    %get3A_35 = vector.load %arg13[%get3A_33, %get3A_34] : memref<2000x64xf32, #tpu.memory_space<vmem>>, vector<2000x64xf32>
    %dot_general3A_36 = arith.constant dense<0.000000e+00> : vector<80x64xf32>
    %dot_general3A_37 = tpu.matmul %get3A_32, %get3A_35, %dot_general3A_36 {dimension_numbers = #tpu.dot_dimension_numbers<[1], [0], [0], [1], [0, 0, 1, 1], [], []>, transpose_lhs_hint = false} : vector<80x2000xf32>, vector<2000x64xf32>, vector<80x64xf32> -> vector<80x64xf32>
    %swap3A_38 = arith.constant 240 : index
    %swap3A_39 = arith.constant 0 : index
    %swap3A_40 = vector.load %arg17[%swap3A_38, %swap3A_39] : memref<400x64xf32, #tpu.memory_space<vmem>>, vector<80x64xf32>
    tpu.vector_store %arg17[%swap3A_38, %swap3A_39], %dot_general3A_37 {strides = array<i32>} : memref<400x64xf32, #tpu.memory_space<vmem>>, vector<80x64xf32>,
    %get3A_41 = arith.constant 0 : index
    %get3A_42 = arith.constant 0 : index
    %get3A_43 = vector.load %arg5[%get3A_41, %get3A_42] : memref<80x2000xf32, #tpu.memory_space<vmem>>, vector<80x2000xf32>
    %get3A_44 = arith.constant 0 : index
    %get3A_45 = arith.constant 0 : index
    %get3A_46 = vector.load %arg13[%get3A_44, %get3A_45] : memref<2000x64xf32, #tpu.memory_space<vmem>>, vector<2000x64xf32>
    %dot_general3A_47 = arith.constant dense<0.000000e+00> : vector<80x64xf32>
    %dot_general3A_48 = tpu.matmul %get3A_43, %get3A_46, %dot_general3A_47 {dimension_numbers = #tpu.dot_dimension_numbers<[1], [0], [0], [1], [0, 0, 1, 1], [], []>, transpose_lhs_hint = false} : vector<80x2000xf32>, vector<2000x64xf32>, vector<80x64xf32> -> vector<80x64xf32>
    %swap3A_49 = arith.constant 320 : index
    %swap3A_50 = arith.constant 0 : index
    %swap3A_51 = vector.load %arg17[%swap3A_49, %swap3A_50] : memref<400x64xf32, #tpu.memory_space<vmem>>, vector<80x64xf32>
    tpu.vector_store %arg17[%swap3A_49, %swap3A_50], %dot_general3A_48 {strides = array<i32>} : memref<400x64xf32, #tpu.memory_space<vmem>>, vector<80x64xf32>,
    %get3A_52 = arith.constant 0 : index
    %get3A_53 = arith.constant 0 : index
    %get3A_54 = vector.load %arg6[%get3A_52, %get3A_53] : memref<40x1000xf32, #tpu.memory_space<vmem>>, vector<40x1000xf32>
    %get3A_55 = arith.constant 0 : index
    %get3A_56 = arith.constant 0 : index
    %get3A_57 = vector.load %arg15[%get3A_55, %get3A_56] : memref<1000x64xf32, #tpu.memory_space<vmem>>, vector<1000x64xf32>
    %dot_general3A_58 = arith.constant dense<0.000000e+00> : vector<40x64xf32>
    %dot_general3A_59 = tpu.matmul %get3A_54, %get3A_57, %dot_general3A_58 {dimension_numbers = #tpu.dot_dimension_numbers<[1], [0], [0], [1], [0, 0, 1, 1], [], []>, transpose_lhs_hint = false} : vector<40x1000xf32>, vector<1000x64xf32>, vector<40x64xf32> -> vector<40x64xf32>
    %swap3A_60 = arith.constant 0 : index
    %swap3A_61 = arith.constant 0 : index
    %swap3A_62 = vector.load %arg19[%swap3A_60, %swap3A_61] : memref<200x64xf32, #tpu.memory_space<vmem>>, vector<40x64xf32>
    tpu.vector_store %arg19[%swap3A_60, %swap3A_61], %dot_general3A_59 {strides = array<i32>} : memref<200x64xf32, #tpu.memory_space<vmem>>, vector<40x64xf32>,
    %get3A_63 = arith.constant 0 : index
    %get3A_64 = arith.constant 0 : index
    %get3A_65 = vector.load %arg7[%get3A_63, %get3A_64] : memref<40x1000xf32, #tpu.memory_space<vmem>>, vector<40x1000xf32>
    %get3A_66 = arith.constant 0 : index
    %get3A_67 = arith.constant 0 : index
    %get3A_68 = vector.load %arg15[%get3A_66, %get3A_67] : memref<1000x64xf32, #tpu.memory_space<vmem>>, vector<1000x64xf32>
    %dot_general3A_69 = arith.constant dense<0.000000e+00> : vector<40x64xf32>
    %dot_general3A_70 = tpu.matmul %get3A_65, %get3A_68, %dot_general3A_69 {dimension_numbers = #tpu.dot_dimension_numbers<[1], [0], [0], [1], [0, 0, 1, 1], [], []>, transpose_lhs_hint = false} : vector<40x1000xf32>, vector<1000x64xf32>, vector<40x64xf32> -> vector<40x64xf32>
    %swap3A_71 = arith.constant 40 : index
    %swap3A_72 = arith.constant 0 : index
    %swap3A_73 = vector.load %arg19[%swap3A_71, %swap3A_72] : memref<200x64xf32, #tpu.memory_space<vmem>>, vector<40x64xf32>
    tpu.vector_store %arg19[%swap3A_71, %swap3A_72], %dot_general3A_70 {strides = array<i32>} : memref<200x64xf32, #tpu.memory_space<vmem>>, vector<40x64xf32>,
    %get3A_74 = arith.constant 0 : index
    %get3A_75 = arith.constant 0 : index
    %get3A_76 = vector.load %arg8[%get3A_74, %get3A_75] : memref<40x1000xf32, #tpu.memory_space<vmem>>, vector<40x1000xf32>
    %get3A_77 = arith.constant 0 : index
    %get3A_78 = arith.constant 0 : index
    %get3A_79 = vector.load %arg15[%get3A_77, %get3A_78] : memref<1000x64xf32, #tpu.memory_space<vmem>>, vector<1000x64xf32>
    %dot_general3A_80 = arith.constant dense<0.000000e+00> : vector<40x64xf32>
    %dot_general3A_81 = tpu.matmul %get3A_76, %get3A_79, %dot_general3A_80 {dimension_numbers = #tpu.dot_dimension_numbers<[1], [0], [0], [1], [0, 0, 1, 1], [], []>, transpose_lhs_hint = false} : vector<40x1000xf32>, vector<1000x64xf32>, vector<40x64xf32> -> vector<40x64xf32>
    %swap3A_82 = arith.constant 80 : index
    %swap3A_83 = arith.constant 0 : index
    %swap3A_84 = vector.load %arg19[%swap3A_82, %swap3A_83] : memref<200x64xf32, #tpu.memory_space<vmem>>, vector<40x64xf32>
    tpu.vector_store %arg19[%swap3A_82, %swap3A_83], %dot_general3A_81 {strides = array<i32>} : memref<200x64xf32, #tpu.memory_space<vmem>>, vector<40x64xf32>,
    %get3A_85 = arith.constant 0 : index
    %get3A_86 = arith.constant 0 : index
    %get3A_87 = vector.load %arg9[%get3A_85, %get3A_86] : memref<40x1000xf32, #tpu.memory_space<vmem>>, vector<40x1000xf32>
    %get3A_88 = arith.constant 0 : index
    %get3A_89 = arith.constant 0 : index
    %get3A_90 = vector.load %arg15[%get3A_88, %get3A_89] : memref<1000x64xf32, #tpu.memory_space<vmem>>, vector<1000x64xf32>
    %dot_general3A_91 = arith.constant dense<0.000000e+00> : vector<40x64xf32>
    %dot_general3A_92 = tpu.matmul %get3A_87, %get3A_90, %dot_general3A_91 {dimension_numbers = #tpu.dot_dimension_numbers<[1], [0], [0], [1], [0, 0, 1, 1], [], []>, transpose_lhs_hint = false} : vector<40x1000xf32>, vector<1000x64xf32>, vector<40x64xf32> -> vector<40x64xf32>
    %swap3A_93 = arith.constant 120 : index
    %swap3A_94 = arith.constant 0 : index
    %swap3A_95 = vector.load %arg19[%swap3A_93, %swap3A_94] : memref<200x64xf32, #tpu.memory_space<vmem>>, vector<40x64xf32>
    tpu.vector_store %arg19[%swap3A_93, %swap3A_94], %dot_general3A_92 {strides = array<i32>} : memref<200x64xf32, #tpu.memory_space<vmem>>, vector<40x64xf32>,
    %get3A_96 = arith.constant 0 : index
    %get3A_97 = arith.constant 0 : index
    %get3A_98 = vector.load %arg10[%get3A_96, %get3A_97] : memref<40x1000xf32, #tpu.memory_space<vmem>>, vector<40x1000xf32>
    %get3A_99 = arith.constant 0 : index
    %get3A_100 = arith.constant 0 : index
    %get3A_101 = vector.load %arg15[%get3A_99, %get3A_100] : memref<1000x64xf32, #tpu.memory_space<vmem>>, vector<1000x64xf32>
    %dot_general3A_102 = arith.constant dense<0.000000e+00> : vector<40x64xf32>
    %dot_general3A_103 = tpu.matmul %get3A_98, %get3A_101, %dot_general3A_102 {dimension_numbers = #tpu.dot_dimension_numbers<[1], [0], [0], [1], [0, 0, 1, 1], [], []>, transpose_lhs_hint = false} : vector<40x1000xf32>, vector<1000x64xf32>, vector<40x64xf32> -> vector<40x64xf32>
    %swap3A_104 = arith.constant 160 : index
    %swap3A_105 = arith.constant 0 : index
    %swap3A_106 = vector.load %arg19[%swap3A_104, %swap3A_105] : memref<200x64xf32, #tpu.memory_space<vmem>>, vector<40x64xf32>
    tpu.vector_store %arg19[%swap3A_104, %swap3A_105], %dot_general3A_103 {strides = array<i32>} : memref<200x64xf32, #tpu.memory_space<vmem>>, vector<40x64xf32>,
    %get3A_107 = arith.constant 0 : index
    %get3A_108 = arith.constant 0 : index
    %get3A_109 = vector.load %arg11[%get3A_107, %get3A_108] : memref<80x400xf32, #tpu.memory_space<vmem>>, vector<80x400xf32>
    %get3A_110 = arith.constant 0 : index
    %get3A_111 = arith.constant 0 : index
    %get3A_112 = vector.load %arg14[%get3A_110, %get3A_111] : memref<400x64xf32, #tpu.memory_space<vmem>>, vector<400x64xf32>
    %dot_general3A_113 = arith.constant dense<0.000000e+00> : vector<80x64xf32>
    %dot_general3A_114 = tpu.matmul %get3A_109, %get3A_112, %dot_general3A_113 {dimension_numbers = #tpu.dot_dimension_numbers<[1], [0], [0], [1], [0, 0, 1, 1], [], []>, transpose_lhs_hint = false} : vector<80x400xf32>, vector<400x64xf32>, vector<80x64xf32> -> vector<80x64xf32>
    %swap3A_115 = arith.constant 0 : index
    %swap3A_116 = arith.constant 0 : index
    %swap3A_117 = vector.load %arg18[%swap3A_115, %swap3A_116] : memref<80x64xf32, #tpu.memory_space<vmem>>, vector<80x64xf32>
    tpu.vector_store %arg18[%swap3A_115, %swap3A_116], %dot_general3A_114 {strides = array<i32>} : memref<80x64xf32, #tpu.memory_space<vmem>>, vector<80x64xf32>,
    %get3A_118 = arith.constant 0 : index
    %get3A_119 = arith.constant 0 : index
    %get3A_120 = vector.load %arg12[%get3A_118, %get3A_119] : memref<80x400xf32, #tpu.memory_space<vmem>>, vector<80x400xf32>
    %get3A_121 = arith.constant 0 : index
    %get3A_122 = arith.constant 0 : index
    %get3A_123 = vector.load %arg16[%get3A_121, %get3A_122] : memref<400x64xf32, #tpu.memory_space<vmem>>, vector<400x64xf32>
    %dot_general3A_124 = arith.constant dense<0.000000e+00> : vector<80x64xf32>
    %dot_general3A_125 = tpu.matmul %get3A_120, %get3A_123, %dot_general3A_124 {dimension_numbers = #tpu.dot_dimension_numbers<[1], [0], [0], [1], [0, 0, 1, 1], [], []>, transpose_lhs_hint = false} : vector<80x400xf32>, vector<400x64xf32>, vector<80x64xf32> -> vector<80x64xf32>
    %swap3A_126 = arith.constant 0 : index
    %swap3A_127 = arith.constant 0 : index
    %swap3A_128 = vector.load %arg20[%swap3A_126, %swap3A_127] : memref<80x64xf32, #tpu.memory_space<vmem>>, vector<80x64xf32>
    tpu.vector_store %arg20[%swap3A_126, %swap3A_127], %dot_general3A_125 {strides = array<i32>} : memref<80x64xf32, #tpu.memory_space<vmem>>, vector<80x64xf32>,
    return
  }
  func.func @transform_0(%arg0: i32) -> (i32, i32) {
    %mul3A = arith.constant 5 : i32
    %mul3A_0 = arith.muli %mul3A, %arg0 : i32
    %add3A = arith.constant 0 : i32
    %add3A_1 = arith.addi %mul3A_0, %add3A : i32
    %c0_i32 = arith.constant 0 : i32
    %c0_i32_2 = arith.constant 0 : i32
    return %add3A_1, %c0_i32 : i32, i32
  }
  func.func @transform_1(%arg0: i32) -> (i32, i32) {
    %mul3A = arith.constant 5 : i32
    %mul3A_0 = arith.muli %mul3A, %arg0 : i32
    %add3A = arith.constant 1 : i32
    %add3A_1 = arith.addi %mul3A_0, %add3A : i32
    %c0_i32 = arith.constant 0 : i32
    %c0_i32_2 = arith.constant 0 : i32
    return %add3A_1, %c0_i32 : i32, i32
  }
  func.func @transform_2(%arg0: i32) -> (i32, i32) {
    %mul3A = arith.constant 5 : i32
    %mul3A_0 = arith.muli %mul3A, %arg0 : i32
    %add3A = arith.constant 2 : i32
    %add3A_1 = arith.addi %mul3A_0, %add3A : i32
    %c0_i32 = arith.constant 0 : i32
    %c0_i32_2 = arith.constant 0 : i32
    return %add3A_1, %c0_i32 : i32, i32
  }
  func.func @transform_3(%arg0: i32) -> (i32, i32) {
    %mul3A = arith.constant 5 : i32
    %mul3A_0 = arith.muli %mul3A, %arg0 : i32
    %add3A = arith.constant 3 : i32
    %add3A_1 = arith.addi %mul3A_0, %add3A : i32
    %c0_i32 = arith.constant 0 : i32
    %c0_i32_2 = arith.constant 0 : i32
    return %add3A_1, %c0_i32 : i32, i32
  }
  func.func @transform_4(%arg0: i32) -> (i32, i32) {
    %mul3A = arith.constant 5 : i32
    %mul3A_0 = arith.muli %mul3A, %arg0 : i32
    %add3A = arith.constant 4 : i32
    %add3A_1 = arith.addi %mul3A_0, %add3A : i32
    %c0_i32 = arith.constant 0 : i32
    %c0_i32_2 = arith.constant 0 : i32
    return %add3A_1, %c0_i32 : i32, i32
  }
  func.func @transform_5(%arg0: i32) -> (i32, i32) {
    %mul3A = arith.constant 5 : i32
    %mul3A_0 = arith.muli %mul3A, %arg0 : i32
    %add3A = arith.constant 0 : i32
    %add3A_1 = arith.addi %mul3A_0, %add3A : i32
    %c0_i32 = arith.constant 0 : i32
    %c0_i32_2 = arith.constant 0 : i32
    return %add3A_1, %c0_i32 : i32, i32
  }
  func.func @transform_6(%arg0: i32) -> (i32, i32) {
    %mul3A = arith.constant 5 : i32
    %mul3A_0 = arith.muli %mul3A, %arg0 : i32
    %add3A = arith.constant 1 : i32
    %add3A_1 = arith.addi %mul3A_0, %add3A : i32
    %c0_i32 = arith.constant 0 : i32
    %c0_i32_2 = arith.constant 0 : i32
    return %add3A_1, %c0_i32 : i32, i32
  }
  func.func @transform_7(%arg0: i32) -> (i32, i32) {
    %mul3A = arith.constant 5 : i32
    %mul3A_0 = arith.muli %mul3A, %arg0 : i32
    %add3A = arith.constant 2 : i32
    %add3A_1 = arith.addi %mul3A_0, %add3A : i32
    %c0_i32 = arith.constant 0 : i32
    %c0_i32_2 = arith.constant 0 : i32
    return %add3A_1, %c0_i32 : i32, i32
  }
  func.func @transform_8(%arg0: i32) -> (i32, i32) {
    %mul3A = arith.constant 5 : i32
    %mul3A_0 = arith.muli %mul3A, %arg0 : i32
    %add3A = arith.constant 3 : i32
    %add3A_1 = arith.addi %mul3A_0, %add3A : i32
    %c0_i32 = arith.constant 0 : i32
    %c0_i32_2 = arith.constant 0 : i32
    return %add3A_1, %c0_i32 : i32, i32
  }
  func.func @transform_9(%arg0: i32) -> (i32, i32) {
    %mul3A = arith.constant 5 : i32
    %mul3A_0 = arith.muli %mul3A, %arg0 : i32
    %add3A = arith.constant 4 : i32
    %add3A_1 = arith.addi %mul3A_0, %add3A : i32
    %c0_i32 = arith.constant 0 : i32
    %c0_i32_2 = arith.constant 0 : i32
    return %add3A_1, %c0_i32 : i32, i32
  }
  func.func @transform_10(%arg0: i32) -> (i32, i32) {
    %c0_i32 = arith.constant 0 : i32
    %c0_i32_0 = arith.constant 0 : i32
    return %arg0, %c0_i32 : i32, i32
  }
  func.func @transform_11(%arg0: i32) -> (i32, i32) {
    %c0_i32 = arith.constant 0 : i32
    %c0_i32_0 = arith.constant 0 : i32
    return %arg0, %c0_i32 : i32, i32
  }
  func.func @transform_12(%arg0: i32) -> (i32, i32) {
    %c0_i32 = arith.constant 0 : i32
    %c0_i32_0 = arith.constant 0 : i32
    %c0_i32_1 = arith.constant 0 : i32
    return %c0_i32, %c0_i32_0 : i32, i32
  }
  func.func @transform_13(%arg0: i32) -> (i32, i32) {
    %c0_i32 = arith.constant 0 : i32
    %c0_i32_0 = arith.constant 0 : i32
    %c0_i32_1 = arith.constant 0 : i32
    return %c0_i32, %c0_i32_0 : i32, i32
  }
  func.func @transform_14(%arg0: i32) -> (i32, i32) {
    %c0_i32 = arith.constant 0 : i32
    %c0_i32_0 = arith.constant 0 : i32
    %c0_i32_1 = arith.constant 0 : i32
    return %c0_i32, %c0_i32_0 : i32, i32
  }
  func.func @transform_15(%arg0: i32) -> (i32, i32) {
    %c0_i32 = arith.constant 0 : i32
    %c0_i32_0 = arith.constant 0 : i32
    %c0_i32_1 = arith.constant 0 : i32
    return %c0_i32, %c0_i32_0 : i32, i32
  }
  func.func @transform_16(%arg0: i32) -> (i32, i32) {
    %c0_i32 = arith.constant 0 : i32
    %c0_i32_0 = arith.constant 0 : i32
    return %arg0, %c0_i32 : i32, i32
  }
  func.func @transform_17(%arg0: i32) -> (i32, i32) {
    %c0_i32 = arith.constant 0 : i32
    %c0_i32_0 = arith.constant 0 : i32
    return %arg0, %c0_i32 : i32, i32
  }
  func.func @transform_18(%arg0: i32) -> (i32, i32) {
    %c0_i32 = arith.constant 0 : i32
    %c0_i32_0 = arith.constant 0 : i32
    return %arg0, %c0_i32 : i32, i32
  }
  func.func @transform_19(%arg0: i32) -> (i32, i32) {
    %c0_i32 = arith.constant 0 : i32
    %c0_i32_0 = arith.constant 0 : i32
    return %arg0, %c0_i32 : i32, i32
  }
}

module attributes {stable_mosaic.version = 14 : i64} {
  func.func @_finish_body(%arg0: i32, %arg1: memref<4096x64xf32, #tpu.memory_space<vmem>>, %arg2: memref<4096x64xf32, #tpu.memory_space<vmem>>, %arg3: memref<64x64xf32, #tpu.memory_space<vmem>>, %arg4: memref<64x64xf32, #tpu.memory_space<vmem>>, %arg5: memref<1x64xf32, #tpu.memory_space<vmem>>, %arg6: memref<1x64xf32, #tpu.memory_space<vmem>>, %arg7: memref<4096x64xf32, #tpu.memory_space<vmem>>, %arg8: memref<4096x64xf32, #tpu.memory_space<vmem>>, %arg9: memref<4096x64xf32, #tpu.memory_space<vmem>>, %arg10: memref<4096x64xf32, #tpu.memory_space<vmem>>, %arg11: memref<4096x64xf32, #tpu.memory_space<vmem>>, %arg12: memref<4096x64xf32, #tpu.memory_space<vmem>>) attributes {dimension_semantics = [#tpu.dimension_semantics<arbitrary>], iteration_bounds = array<i64: 8>, scalar_prefetch = 0 : i64, scratch_operands = 0 : i64, tpu.core_type = #tpu.core_type<tc>, window_params = [{transform_indices = @transform_0, window_bounds = array<i64: 4096, 64>}, {transform_indices = @transform_1, window_bounds = array<i64: 4096, 64>}, {pipeline_mode = #tpu.pipeline_mode<synchronous>, transform_indices = @transform_2, window_bounds = array<i64: 64, 64>}, {pipeline_mode = #tpu.pipeline_mode<synchronous>, transform_indices = @transform_3, window_bounds = array<i64: 64, 64>}, {pipeline_mode = #tpu.pipeline_mode<synchronous>, transform_indices = @transform_4, window_bounds = array<i64: 1, 64>}, {pipeline_mode = #tpu.pipeline_mode<synchronous>, transform_indices = @transform_5, window_bounds = array<i64: 1, 64>}, {transform_indices = @transform_6, window_bounds = array<i64: 4096, 64>}, {transform_indices = @transform_7, window_bounds = array<i64: 4096, 64>}, {transform_indices = @transform_8, window_bounds = array<i64: 4096, 64>}, {transform_indices = @transform_9, window_bounds = array<i64: 4096, 64>}, {transform_indices = @transform_10, window_bounds = array<i64: 4096, 64>}, {transform_indices = @transform_11, window_bounds = array<i64: 4096, 64>}]} {
    %lt3A = arith.constant 4 : i32
    %lt3A_0 = arith.cmpi slt, %arg0, %lt3A : i32
    %convert_element_type3A = arith.extui %lt3A_0 : i1 to i32
    %cond3A = arith.constant 0 : i32
    %cond3A_1 = arith.cmpi ne, %convert_element_type3A, %cond3A : i32
    scf.if %cond3A_1 {
      %get3A = arith.constant 0 : index
      %get3A_6 = arith.constant 0 : index
      %get3A_7 = vector.load %arg1[%get3A, %get3A_6] : memref<4096x64xf32, #tpu.memory_space<vmem>>, vector<4096x64xf32>
      %get3A_8 = arith.constant 0 : index
      %get3A_9 = arith.constant 0 : index
      %get3A_10 = vector.load %arg3[%get3A_8, %get3A_9] : memref<64x64xf32, #tpu.memory_space<vmem>>, vector<64x64xf32>
      %dot_general3A = arith.constant dense<0.000000e+00> : vector<4096x64xf32>
      %dot_general3A_11 = tpu.matmul %get3A_7, %get3A_10, %dot_general3A {dimension_numbers = #tpu.dot_dimension_numbers<[1], [0], [0], [1], [0, 0, 1, 1], [], []>, transpose_lhs_hint = false} : vector<4096x64xf32>, vector<64x64xf32>, vector<4096x64xf32> -> vector<4096x64xf32>
      %get3A_12 = arith.constant 0 : index
      %get3A_13 = arith.constant 0 : index
      %get3A_14 = vector.load %arg5[%get3A_12, %get3A_13] : memref<1x64xf32, #tpu.memory_space<vmem>>, vector<1x64xf32>
      %add3A = vector.broadcast %get3A_14 : vector<1x64xf32> to vector<4096x64xf32>
      %add3A_15 = arith.addf %dot_general3A_11, %add3A : vector<4096x64xf32>
      %get3A_16 = arith.constant 0 : index
      %get3A_17 = arith.constant 0 : index
      %get3A_18 = vector.load %arg7[%get3A_16, %get3A_17] : memref<4096x64xf32, #tpu.memory_space<vmem>>, vector<4096x64xf32>
      %add3A_19 = arith.addf %add3A_15, %get3A_18 : vector<4096x64xf32>
      %get3A_20 = arith.constant 0 : index
      %get3A_21 = arith.constant 0 : index
      %get3A_22 = vector.load %arg8[%get3A_20, %get3A_21] : memref<4096x64xf32, #tpu.memory_space<vmem>>, vector<4096x64xf32>
      %add3A_23 = arith.addf %add3A_19, %get3A_22 : vector<4096x64xf32>
      %swap3A = arith.constant 0 : index
      %swap3A_24 = arith.constant 0 : index
      %swap3A_25 = vector.load %arg11[%swap3A, %swap3A_24] : memref<4096x64xf32, #tpu.memory_space<vmem>>, vector<4096x64xf32>
      tpu.vector_store %arg11[%swap3A, %swap3A_24], %add3A_23 {strides = array<i32>} : memref<4096x64xf32, #tpu.memory_space<vmem>>, vector<4096x64xf32>,
    } else {
    }
    %ge3A = arith.constant 4 : i32
    %ge3A_2 = arith.cmpi sge, %arg0, %ge3A : i32
    %convert_element_type3A_3 = arith.extui %ge3A_2 : i1 to i32
    %cond3A_4 = arith.constant 0 : i32
    %cond3A_5 = arith.cmpi ne, %convert_element_type3A_3, %cond3A_4 : i32
    scf.if %cond3A_5 {
      %get3A = arith.constant 0 : index
      %get3A_6 = arith.constant 0 : index
      %get3A_7 = vector.load %arg2[%get3A, %get3A_6] : memref<4096x64xf32, #tpu.memory_space<vmem>>, vector<4096x64xf32>
      %get3A_8 = arith.constant 0 : index
      %get3A_9 = arith.constant 0 : index
      %get3A_10 = vector.load %arg4[%get3A_8, %get3A_9] : memref<64x64xf32, #tpu.memory_space<vmem>>, vector<64x64xf32>
      %dot_general3A = arith.constant dense<0.000000e+00> : vector<4096x64xf32>
      %dot_general3A_11 = tpu.matmul %get3A_7, %get3A_10, %dot_general3A {dimension_numbers = #tpu.dot_dimension_numbers<[1], [0], [0], [1], [0, 0, 1, 1], [], []>, transpose_lhs_hint = false} : vector<4096x64xf32>, vector<64x64xf32>, vector<4096x64xf32> -> vector<4096x64xf32>
      %get3A_12 = arith.constant 0 : index
      %get3A_13 = arith.constant 0 : index
      %get3A_14 = vector.load %arg6[%get3A_12, %get3A_13] : memref<1x64xf32, #tpu.memory_space<vmem>>, vector<1x64xf32>
      %add3A = vector.broadcast %get3A_14 : vector<1x64xf32> to vector<4096x64xf32>
      %add3A_15 = arith.addf %dot_general3A_11, %add3A : vector<4096x64xf32>
      %get3A_16 = arith.constant 0 : index
      %get3A_17 = arith.constant 0 : index
      %get3A_18 = vector.load %arg9[%get3A_16, %get3A_17] : memref<4096x64xf32, #tpu.memory_space<vmem>>, vector<4096x64xf32>
      %add3A_19 = arith.addf %add3A_15, %get3A_18 : vector<4096x64xf32>
      %get3A_20 = arith.constant 0 : index
      %get3A_21 = arith.constant 0 : index
      %get3A_22 = vector.load %arg10[%get3A_20, %get3A_21] : memref<4096x64xf32, #tpu.memory_space<vmem>>, vector<4096x64xf32>
      %add3A_23 = arith.addf %add3A_19, %get3A_22 : vector<4096x64xf32>
      %swap3A = arith.constant 0 : index
      %swap3A_24 = arith.constant 0 : index
      %swap3A_25 = vector.load %arg12[%swap3A, %swap3A_24] : memref<4096x64xf32, #tpu.memory_space<vmem>>, vector<4096x64xf32>
      tpu.vector_store %arg12[%swap3A, %swap3A_24], %add3A_23 {strides = array<i32>} : memref<4096x64xf32, #tpu.memory_space<vmem>>, vector<4096x64xf32>,
    } else {
    }
    return
  }
  func.func @transform_0(%arg0: i32) -> (i32, i32) {
    %jit3A = arith.constant 0 : i32
    %jit3A_0 = arith.constant 3 : i32
    %max3A = arith.maxsi %jit3A, %arg0 : i32
    %min3A = arith.minsi %jit3A_0, %max3A : i32
    %c0_i32 = arith.constant 0 : i32
    %c0_i32_1 = arith.constant 0 : i32
    return %min3A, %c0_i32 : i32, i32
  }
  func.func @transform_1(%arg0: i32) -> (i32, i32) {
    %sub3A = arith.constant 4 : i32
    %sub3A_0 = arith.subi %arg0, %sub3A : i32
    %jit3A = arith.constant 0 : i32
    %jit3A_1 = arith.constant 3 : i32
    %max3A = arith.maxsi %jit3A, %sub3A_0 : i32
    %min3A = arith.minsi %jit3A_1, %max3A : i32
    %c0_i32 = arith.constant 0 : i32
    %c0_i32_2 = arith.constant 0 : i32
    return %min3A, %c0_i32 : i32, i32
  }
  func.func @transform_2(%arg0: i32) -> (i32, i32) {
    %c0_i32 = arith.constant 0 : i32
    %c0_i32_0 = arith.constant 0 : i32
    %c0_i32_1 = arith.constant 0 : i32
    return %c0_i32, %c0_i32_0 : i32, i32
  }
  func.func @transform_3(%arg0: i32) -> (i32, i32) {
    %c0_i32 = arith.constant 0 : i32
    %c0_i32_0 = arith.constant 0 : i32
    %c0_i32_1 = arith.constant 0 : i32
    return %c0_i32, %c0_i32_0 : i32, i32
  }
  func.func @transform_4(%arg0: i32) -> (i32, i32) {
    %c0_i32 = arith.constant 0 : i32
    %c0_i32_0 = arith.constant 0 : i32
    %c0_i32_1 = arith.constant 0 : i32
    return %c0_i32, %c0_i32_0 : i32, i32
  }
  func.func @transform_5(%arg0: i32) -> (i32, i32) {
    %c0_i32 = arith.constant 0 : i32
    %c0_i32_0 = arith.constant 0 : i32
    %c0_i32_1 = arith.constant 0 : i32
    return %c0_i32, %c0_i32_0 : i32, i32
  }
  func.func @transform_6(%arg0: i32) -> (i32, i32) {
    %jit3A = arith.constant 0 : i32
    %jit3A_0 = arith.constant 3 : i32
    %max3A = arith.maxsi %jit3A, %arg0 : i32
    %min3A = arith.minsi %jit3A_0, %max3A : i32
    %c0_i32 = arith.constant 0 : i32
    %c0_i32_1 = arith.constant 0 : i32
    return %min3A, %c0_i32 : i32, i32
  }
  func.func @transform_7(%arg0: i32) -> (i32, i32) {
    %jit3A = arith.constant 0 : i32
    %jit3A_0 = arith.constant 3 : i32
    %max3A = arith.maxsi %jit3A, %arg0 : i32
    %min3A = arith.minsi %jit3A_0, %max3A : i32
    %c0_i32 = arith.constant 0 : i32
    %c0_i32_1 = arith.constant 0 : i32
    return %min3A, %c0_i32 : i32, i32
  }
  func.func @transform_8(%arg0: i32) -> (i32, i32) {
    %sub3A = arith.constant 4 : i32
    %sub3A_0 = arith.subi %arg0, %sub3A : i32
    %jit3A = arith.constant 0 : i32
    %jit3A_1 = arith.constant 3 : i32
    %max3A = arith.maxsi %jit3A, %sub3A_0 : i32
    %min3A = arith.minsi %jit3A_1, %max3A : i32
    %c0_i32 = arith.constant 0 : i32
    %c0_i32_2 = arith.constant 0 : i32
    return %min3A, %c0_i32 : i32, i32
  }
  func.func @transform_9(%arg0: i32) -> (i32, i32) {
    %sub3A = arith.constant 4 : i32
    %sub3A_0 = arith.subi %arg0, %sub3A : i32
    %jit3A = arith.constant 0 : i32
    %jit3A_1 = arith.constant 3 : i32
    %max3A = arith.maxsi %jit3A, %sub3A_0 : i32
    %min3A = arith.minsi %jit3A_1, %max3A : i32
    %c0_i32 = arith.constant 0 : i32
    %c0_i32_2 = arith.constant 0 : i32
    return %min3A, %c0_i32 : i32, i32
  }
  func.func @transform_10(%arg0: i32) -> (i32, i32) {
    %jit3A = arith.constant 0 : i32
    %jit3A_0 = arith.constant 3 : i32
    %max3A = arith.maxsi %jit3A, %arg0 : i32
    %min3A = arith.minsi %jit3A_0, %max3A : i32
    %c0_i32 = arith.constant 0 : i32
    %c0_i32_1 = arith.constant 0 : i32
    return %min3A, %c0_i32 : i32, i32
  }
  func.func @transform_11(%arg0: i32) -> (i32, i32) {
    %sub3A = arith.constant 4 : i32
    %sub3A_0 = arith.subi %arg0, %sub3A : i32
    %jit3A = arith.constant 0 : i32
    %jit3A_1 = arith.constant 3 : i32
    %max3A = arith.maxsi %jit3A, %sub3A_0 : i32
    %min3A = arith.minsi %jit3A_1, %max3A : i32
    %c0_i32 = arith.constant 0 : i32
    %c0_i32_2 = arith.constant 0 : i32
    return %min3A, %c0_i32 : i32, i32
  }
}

</mosaic_0001>

<sc_bundles>
// kernel: kernel.5.cloned.1.call-start
scs
__scs_entry_jumppad:
0x0: {  	(pc) =	sbr.rel $0x88, $3  }
0x1: {  	(tag) =	ssettag $0x0;
	lr =	simm.s32 $0x1  }
0x2: {  	[smem:$0x3F97] =	sst lr;
	_ =	strace $0xD0000000  }
0x3: {  	_ = 	snop  }
0x4: {  	_ = 	snop  }
0x5: {  	_ = 	snop  }
0x6: {  	_ = 	snop  }
0x7: {  	_ = 	snop  }
__scs_overlays_trampoline_lowered:
0x8: {  	[smem:$0x3FA6] =	sst s0  }
0x9: {  	[smem:$0x3FA7] =	sst s1  }
0xa: {  	[smem:$0x3FA8] =	sst s2  }
0xb: {  	[smem:$0x3FA9] =	sst s3  }
0xc: {  	[smem:$0x3FAA] =	sst s4  }
0xd: {  	[smem:$0x3FAB] =	sst s5  }
0xe: {  	[smem:$0x3FAC] =	sst s6  }
0xf: {  	[smem:$0x3FAD] =	sst s7  }
0x10: {  	[smem:$0x3FAE] =	sst s8  }
0x11: {  	[smem:$0x3FAF] =	sst s9;
	s0 =	simm.s32 @!p0 $0x0  }
0x12: {  	s1 =	sld [smem:$0x3F95];
	s0 =	simm.s32 @p0 $0x1  }
0x13: {  	[smem:$0x3FB0] =	sst s0;
	s0 =	simm.s32 @!p1 $0x0  }
0x14: {  	s2 =	sld [smem:$0x3F94];
	s0 =	simm.s32 @p1 $0x1  }
0x15: {  	[smem:$0x3FB1] =	sst s0;
	s0 =	simm.s32 @!p2 $0x0  }
0x16: {  	s3 =	sld [smem:$0x3FDB];
	s0 =	simm.s32 @p2 $0x1  }
0x17: {  	s4 =	simm.s32 $0x1BF5;
	[smem:$0x3FB3] =	sst s0  }
0x18: {  	s0 =	sld [smem:$0x3F96];
	_ =	swait.ge [sflag:s4], $0x0  }
0x19: {  	s7 =	sld [smem:$0x3F97]  }
0x1a: {  	s8 =	sadd.s32 $0xFFFFE003, lr  }
0x1b: {  	s9 =	sadd.s32 $0xFFFFFEF7, lr;
	s5 =	simm.s32 $0xFFFFFFFF;
	p2 =	slt.u32 s8, $0xFFFFF086  }
0x1c: {  	p1 =	slt.u32 s9, $0xF7A;
	s5 =	simm.s32 @!p2 $0x0  }
0x1d: {  	s5 =	simm.s32 @p1 $0x1;
	p0 =	seq.s32 s7, s2  }
0x1e: {  	s7 =	smul.u32 @!p0 $0xF7A, s2;
	p2 =	seq.s32 @!p0 s5, $0x0  }
0x1f: {  	s9 =	smul.u32 $0xF7A, s1;
	s8 =	simm.s32 @!p0 $0x1BF5;
	p2 =	por !p2, p0  }
0x20: {  	[sflag:s8] =	ssyncset.s32 @!p0 $0xFFFFF086;
	s6 =	sadd.s32 @!p0 s3, s7;
	s7 =	simm.s32 @!p0 $0x108  }
0x21: {  	s3 =	sadd.s32 s3, s9;
	s6 =	sadd.s32 @!p0 $0x88, s6;
	s7 =	simm.s32 @p2 $0x1082  }
0x22: {  	[simem:s7], [sflag:s8] =	dma.local @!p0 [hbm:s6], $0xF7A  }
0x23: {  	s9 =	sor.u32 $0xD0000000, s2;
	s6 =	simm.s32 $0x108;
	_ =	swait.ge @!p0 [sflag:s8], $0x0  }
0x24: {  	s3 =	sadd.s32 $0x88, s3;
	s6 =	simm.s32 @!p1 $0x1082;
	[sflag:s4] =	ssyncset.s32 $0xFFFFF086  }
0x25: {  	[simem:s6], [sflag:s4] =	dma.local [hbm:s3], $0xF7A  }
0x26: {  	[smem:$0x3F97] =	sst s1;
	(tag) =	ssettag s2;
	_ =	strace s9  }
0x27: {  	s1 =	sld [smem:$0x3FA7]  }
0x28: {  	s2 =	sld [smem:$0x3FA8]  }
0x29: {  	s4 =	sld [smem:$0x3FAA]  }
0x2a: {  	p0 =	seq.s32 s5, $0x0;
	s5 =	sld [smem:$0x3FAB]  }
0x2b: {  	s6 =	sld [smem:$0x3FAC]  }
0x2c: {  	s7 =	sld [smem:$0x3FAD]  }
0x2d: {  	s3 =	simm.s32 $0x108;
	s8 =	sld [smem:$0x3FAE]  }
0x2e: {  	s3 =	simm.s32 @!p0 $0x1082;
	s9 =	sld [smem:$0x3FAF]  }
0x2f: {  	lr =	sadd.s32 s0, s3;
	s0 =	sld [smem:$0x3FA6]  }
0x30: {  	s3 =	sld [smem:$0x3FA9]  }
0x31: {  	[smem:$0x3FB2] =	sst s10  }
0x32: {  	s10 =	sld [smem:$0x3FB0];
	_ =	sdelay $0x3  }
0x33: {  	p0 =	seq.s32 s10, $0x1;
	s10 =	sld [smem:$0x3FB2];
	_ =	sdelay $0x3  }
0x34: {  	[smem:$0x3FB2] =	sst s10  }
0x35: {  	s10 =	sld [smem:$0x3FB1];
	_ =	sdelay $0x3  }
0x36: {  	p1 =	seq.s32 s10, $0x1;
	s10 =	sld [smem:$0x3FB2];
	_ =	sdelay $0x3  }
0x37: {  	[smem:$0x3FB2] =	sst s10  }
0x38: {  	s10 =	sld [smem:$0x3FB3]  }
0x39: {  	_ = 	snop;
	(pc) =	sbr.ind lr, $3  }
0x3a: {  	_ = 	snop  }
0x3b: {  	_ = 	snop  }
0x3c: {  	p2 =	seq.s32 s10, $0x1;
	s10 =	sld [smem:$0x3FB2]  }
0x3d: {  	_ =	shalt  }
0x3e: {  	_ =	shalt  }
0x3f: {  	_ =	shalt  }
0x40: {  	_ =	shalt  }
0x41: {  	_ =	shalt  }
0x42: {  	_ =	shalt  }
0x43: {  	_ =	shalt  }
0x44: {  	_ =	shalt  }
0x45: {  	_ =	shalt  }
0x46: {  	_ =	shalt  }
0x47: {  	_ =	shalt  }
0x48: {  	_ =	shalt  }
0x49: {  	_ =	shalt  }
0x4a: {  	_ =	shalt  }
0x4b: {  	_ =	shalt  }
0x4c: {  	_ =	shalt  }
0x4d: {  	_ =	shalt  }
0x4e: {  	_ =	shalt  }
0x4f: {  	_ =	shalt  }
0x50: {  	_ =	shalt  }
0x51: {  	_ =	shalt  }
0x52: {  	_ =	shalt  }
0x53: {  	_ =	shalt  }
0x54: {  	_ =	shalt  }
0x55: {  	_ =	shalt  }
0x56: {  	_ =	shalt  }
0x57: {  	_ =	shalt  }
0x58: {  	_ =	shalt  }
0x59: {  	_ =	shalt  }
0x5a: {  	_ =	shalt  }
0x5b: {  	_ =	shalt  }
0x5c: {  	_ =	shalt  }
0x5d: {  	_ =	shalt  }
0x5e: {  	_ =	shalt  }
0x5f: {  	_ =	shalt  }
0x60: {  	_ =	shalt  }
0x61: {  	_ =	shalt  }
0x62: {  	_ =	shalt  }
0x63: {  	_ =	shalt  }
0x64: {  	_ =	shalt  }
0x65: {  	_ =	shalt  }
0x66: {  	_ =	shalt  }
0x67: {  	_ =	shalt  }
0x68: {  	_ =	shalt  }
0x69: {  	_ =	shalt  }
0x6a: {  	_ =	shalt  }
0x6b: {  	_ =	shalt  }
0x6c: {  	_ =	shalt  }
0x6d: {  	_ =	shalt  }
0x6e: {  	_ =	shalt  }
0x6f: {  	_ =	shalt  }
0x70: {  	_ =	shalt  }
0x71: {  	_ =	shalt  }
0x72: {  	_ =	shalt  }
0x73: {  	_ =	shalt  }
0x74: {  	_ =	shalt  }
0x75: {  	_ =	shalt  }
0x76: {  	_ =	shalt  }
0x77: {  	_ =	shalt  }
0x78: {  	_ =	shalt  }
0x79: {  	_ =	shalt  }
0x7a: {  	_ =	shalt  }
0x7b: {  	_ =	shalt  }
0x7c: {  	_ =	shalt  }
0x7d: {  	_ =	shalt  }
0x7e: {  	_ =	shalt  }
0x7f: {  	_ =	shalt  }
0x80: {  	_ =	shalt  }
0x81: {  	_ =	shalt  }
0x82: {  	_ =	shalt  }
0x83: {  	_ =	shalt  }
0x84: {  	_ =	shalt  }
0x85: {  	_ =	shalt  }
0x86: {  	_ =	shalt  }
0x87: {  	_ =	shalt  }
.Lfunc_end0:
.L_simem_size_0:
called_computation_lowered:
.L_overlay_start_0:
0x88: {  	s2 =	sld [smem:$0x3FD9]  }
0x89: {  	s3 =	sld [smem:$0x3FFE];
	_ =	sdelay $0x1  }
0x8a: {  	s1 =	srdreg.scid  }
0x8b: {  	s0 =	sand.u32 $0x1, s1  }
0x8c: {  	s14 =	sshll.u32 s0, $0xA;
	s2 =	sadd.s32 s3, s2  }
0x8d: {  	s2 =	sadd.s32 s2, s14  }
0x8e: {  	[smem:$0x3FBE] =	sst s2  }
0x8f: {  	_ = 	snop  }
0x90: {  	s2 =	sld [smem:$0x3FD0];
	_ =	sdelay $0x2  }
0x91: {  	s15 =	simm.s32 $0xA;
	s4 =	simm.s32 $0x10  }
0x92: {  	[smem:s4], [sflag:s15] =	dma.local [hbm:s2], $0x1  }
0x93: {  	_ =	swait.eq [sflag:s15], $0x1  }
0x94: {  	[sflag:s15] =	ssyncset.done $0x0  }
0x95: {  	s16 =	sld [smem:$0x10];
	[sflag:s15] =	ssyncadd.s32 $0xFFFFFFFF  }
0x96: {  	s17 =	sld [smem:$0x11];
	(tm) =	ssettm $0x1  }
0x97: {  	s18 =	sld [smem:$0x3FFB];
	_ =	sdelay $0x3  }
0x98: {  	_ =	strace s18  }
0x99: {  	s4 =	sld [smem:$0x3FFC];
	_ =	sdelay $0x3  }
0x9a: {  	_ =	strace s4  }
0x9b: {  	s4 =	sld [smem:$0x3FFD];
	_ =	sdelay $0x3  }
0x9c: {  	_ =	strace s4  }
0x9d: {  	_ =	strace $0x8FFFFFFF  }
0x9e: {  	s19 =	sld [smem:$0x3FDB];
	_ =	sdelay $0x1  }
0x9f: {  	s5 =	simm.s32 $_scs_section_size  }
0xa0: {  	s6 =	simm.s32 $_size__tile_overlayer_lowered;
	s7 =	simm.s32 $_tile_overlayer_lowered  }
0xa1: {  	s22 =	simm.s32 $0x1BFF;
	s21 =	sshll.u32 s7, $0x1;
	s4 =	sadd.s32 s5, s19  }
0xa2: {  	s8 =	simm.s32 $0x0;
	s20 =	sshll.u32 s6, $0x1;
	s6 =	sadd.s32 s21, s4  }
0xa3: {  	[timem:s8], [sflag:s22] =	dma.local [hbm:s6], s20  }
0xa4: {  	_ =	swait.ge [sflag:s22], s20  }
0xa5: {  	s5 =	ssub.s32 $0x0, s20;
	[sflag:s22] =	ssyncset.done $0x0  }
0xa6: {  	[sflag:s22] =	ssyncadd.s32 s5;
	_ =	sdelay $0x1  }
0xa7: {  	s23 =	simm.s32 $0x1B8B  }
0xa8: {  	_ =	swait.ge [sflag:s23], $0x1  }
0xa9: {  	[sflag:s23] =	ssyncset.done $0x0  }
0xaa: {  	s25 =	simm.s32 $0x1B8E;
	s24 =	sld [smem:$0x3FFE];
	[sflag:s23] =	ssyncadd.s32 $0xFFFFFFFF  }
0xab: {  	s26 =	simm.s32 $execute0_lowered;
	[smem:$0x3FD2] =	sst s25  }
0xac: {  	s6 =	sshll.u32 s26, $0x1;
	_ =	strace $0x80000046;
	[dreg:$0x1] =	wrdreg $0xFFFFFFFF  }
0xad: {  	s28 =	simm.s32 $_size_execute0_lowered;
	s4 =	sadd.s32 s4, s6;
	[dreg:$0x0] =	wrdreg $0x0  }
0xae: {  	s6 =	sshll.u32 s28, $0x1;
	[dreg:$0x2] =	wrdreg s4  }
0xaf: {  	[dreg:$0x3] =	wrdreg s6  }
0xb0: {  	[dreg:$0x4] =	wrdreg $0xC0  }
0xb1: {  	_ =	task [dreg:s8], $0x5FFFF  }
0xb2: {  	[dreg:$0x1] =	wrdreg $0xFFFFFFFF  }
0xb3: {  	[dreg:$0x0] =	wrdreg $0x60  }
0xb4: {  	[dreg:$0x2] =	wrdreg s24  }
0xb5: {  	[dreg:$0x3] =	wrdreg s17  }
0xb6: {  	[dreg:$0x4] =	wrdreg s16  }
0xb7: {  	[dreg:$0x5] =	wrdreg $0x9  }
0xb8: {  	_ =	task.clear_ibuf [dreg:s8], $0x6FFFF;
	_ =	strace $0x90000046  }
0xb9: {  	s29 =	simm.s32 $0x9;
	_ =	strace $0x80000048  }
0xba: {  	_ =	swait.ge [sflag:s29], $0x1  }
0xbb: {  	[sflag:s29] =	ssyncadd.s32 $0xFFFFFFFF  }
0xbc: {  	_ =	strace $0x90000048  }
0xbd: {  	_ =	sfence  }
0xbe: {  	s30 =	sld [smem:$0x0];
	_ =	sdelay $0x2  }
0xbf: {  	s31 =	sshll.u32 s1, $0xD;
	s1 =	sshrl.u32 s1, $0x2  }
0xc0: {  	s3 =	sand.u32 $0x4000, s31;
	s1 =	sadd.s32 s1, s30  }
0xc1: {  	s0 =	sor.u32 s3, s0;
	s1 =	sshll.u32 s1, $0x11  }
0xc2: {  	s0 =	sor.u32 s1, s0  }
0xc3: {  	s0 =	sadd.s32 $0x8F2B, s0  }
0xc4: {  	[sflag:s0] =	ssyncadd.remote.s32 $0x1  }
0xc5: {  	_ =	sfence.sel $0xFFFF  }
0xc6: {  	[dreg:$0x0] =	wrdreg $0xFFFFFFFF;
	(pc) =	sbr.abs _section_cstart, $3  }
0xc7: {  	[dreg:$0x1] =	wrdreg $0xFFFFFFFF  }
0xc8: {  	_ =	task.clear_ibuf [dreg:s8], $0x2FFFF;
	_ =	strace $0x9FFFFFFF  }
0xc9: {  	(tm) =	ssettm $0x7FFFFFFF  }
tec
execute0_lowered:
.L_overlay_start_1:
0x0: {  	(tag) =	ssettag $0x1  }
0x1: {  	s1 =	srdreg.scid  }
0x2: {  	s0 =	stileid.u32;
	s24 =	sand.u32 $0x1, s1  }
0x3: {  	s22 =	rddreg [dreg:$0x0];
	s31 =	sshll.u32 s0, $0xA;
	s2 =	sshll.u32 s24, $0x9  }
0x4: {  	s18 =	rddreg [dreg:$0x1];
	s20 =	sor.u32 s2, s31  }
0x5: {  	s19 =	rddreg [dreg:$0x2];
	s2 =	simm.s32 $0x0;
	s3 =	sshrl.u32 s20, $0x3  }
0x6: {  	s4 =	simm.s32 $0x3;
	[smem:$0x7FF] =	sst s2;
	s9 =	sadd.s32 s3, s22  }
0x7: {  	s1 =	rddreg [dreg:$0x3];
	_ =	strace $0x80000047;
	s3 =	sadd.s32 $0x29A00, s9  }
0x8: {  	[tilespmem:s2], [sflag:$0x3] =	stream.linear.gather [hbm4b:s3+s2], $0x200, $0x38;
	[tilespmem:$0x18800] =	vst v63  }
0x9: {  	_ =	swait.ge [sflag:s4], $0x200  }
0xa: {  	[sflag:s4] =	ssyncset.done $0x0  }
0xb: {  	s6 =	simm.s32 $0x200;
	s5 =	sadd.s32 $0x29200, s9;
	[sflag:s4] =	ssyncadd.s32 $0xFFFFFE00  }
0xc: {  	[tilespmem:s6], [sflag:$0x3] =	stream.linear.gather [hbm4b:s5+s2], $0x200, $0x38;
	[tilespmem:$0x18800] =	vst v63  }
0xd: {  	_ =	swait.ge [sflag:s4], $0x200  }
0xe: {  	[sflag:s4] =	ssyncset.done $0x0  }
0xf: {  	s8 =	simm.s32 $0x400;
	s7 =	sadd.s32 $0x28A00, s9;
	[sflag:s4] =	ssyncadd.s32 $0xFFFFFE00  }
0x10: {  	[tilespmem:s8], [sflag:$0x3] =	stream.linear.gather [hbm4b:s7+s2], $0x200, $0x38;
	[tilespmem:$0x18800] =	vst v63  }
0x11: {  	_ =	swait.ge [sflag:s4], $0x200  }
0x12: {  	[sflag:s4] =	ssyncset.done $0x0  }
0x13: {  	s10 =	simm.s32 $0x600;
	s9 =	sadd.s32 $0x28200, s9;
	[sflag:s4] =	ssyncadd.s32 $0xFFFFFE00  }
0x14: {  	[tilespmem:s10], [sflag:$0x3] =	stream.linear.gather [hbm4b:s9+s2], $0x200, $0x38;
	[tilespmem:$0x18800] =	vst v63  }
0x15: {  	_ =	swait.ge [sflag:s4], $0x200  }
0x16: {  	[sflag:s4] =	ssyncset.done $0x0  }
0x17: {  	s12 =	simm.s32 $0x800;
	s11 =	sadd.s32 $0x2A00, s22;
	[sflag:s4] =	ssyncadd.s32 $0xFFFFFE00  }
0x18: {  	[tilespmem:s12], [sflag:$0x1] =	stream.indirect.gather [hbm4b:s11+s6], $0x40, s2, s6, $0xb8;
	[tilespmem:$0x18800] =	vst v63  }
0x19: {  	s14 =	simm.s32 $0x8800;
	s13 =	sadd.s32 $0x20200, s22  }
0x1a: {  	[tilespmem:s14], [sflag:$0x1] =	stream.indirect.gather [hbm4b:s13+s6], $0x40, s6, s6, $0xb8;
	[tilespmem:$0x18800] =	vst v63  }
0x1b: {  	s16 =	simm.s32 $0x10800;
	s17 =	simm.s32 $0x1;
	s15 =	sadd.s32 $0x16400, s22  }
0x1c: {  	[tilespmem:s16], [sflag:$0x1] =	stream.indirect.gather [hbm4b:s15+s6], $0x40, s8, s6, $0xb8;
	[tilespmem:$0x18800] =	vst v63  }
0x1d: {  	_ =	swait.ge [sflag:s17], $0x8000  }
0x1e: {  	s23 =	sshll.u32 s20, $0x3;
	[sflag:s17] =	ssyncset.done $0x0  }
0x1f: {  	s18 =	sadd.s32 s18, s23;
	[sflag:s17] =	ssyncadd.s32 $0xFFFF8000  }
0x20: {  	[hbm4b:s18+s2] =	stream.linear.scatter [tilespmem:s12], [sflag:$0x2], $0x8000, $0x38;
	[tilespmem:$0x18800] =	vst v63  }
0x21: {  	_ =	swait.ge [sflag:s17], $0x8000  }
0x22: {  	[sflag:s17] =	ssyncset.done $0x0  }
0x23: {  	s20 =	sadd.s32 s19, s23;
	s19 =	simm.s32 $0x2;
	[sflag:s17] =	ssyncadd.s32 $0xFFFF8000  }
0x24: {  	[hbm4b:s20+s2] =	stream.linear.scatter [tilespmem:s14], [sflag:$0x2], $0x8000, $0x38;
	[tilespmem:$0x18800] =	vst v63  }
0x25: {  	_ =	swait.ge [sflag:s19], $0x8000  }
0x26: {  	[sflag:s19] =	ssyncset.done $0x0  }
0x27: {  	s21 =	sadd.s32 $0x24200, s22;
	[sflag:s19] =	ssyncadd.s32 $0xFFFF8000  }
0x28: {  	[tilespmem:s12], [sflag:$0x1] =	stream.indirect.gather [hbm4b:s21+s6], $0x40, s10, s6, $0xb8;
	[tilespmem:$0x18800] =	vst v63  }
0x29: {  	_ =	swait.ge [sflag:s17], $0x8000  }
0x2a: {  	s23 =	sadd.s32 s23, s22;
	[sflag:s17] =	ssyncset.done $0x0  }
0x2b: {  	s22 =	sadd.s32 $0x4A200, s23;
	[sflag:s17] =	ssyncadd.s32 $0xFFFF8000  }
0x2c: {  	[hbm4b:s22+s2] =	stream.linear.scatter [tilespmem:s16], [sflag:$0x2], $0x8000, $0x38;
	[tilespmem:$0x18800] =	vst v63  }
0x2d: {  	_ =	swait.ge [sflag:s17], $0x8000  }
0x2e: {  	s24 =	ssub.s32 $0x2, s24;
	[sflag:s17] =	ssyncset.done $0x0  }
0x2f: {  	s25 =	sshrl.u32 s24, $0x1;
	s23 =	sadd.s32 $0x2A200, s23;
	[sflag:s17] =	ssyncadd.s32 $0xFFFF8000  }
0x30: {  	[hbm4b:s23+s2] =	stream.linear.scatter [tilespmem:s12], [sflag:$0x2], $0x8000, $0x38;
	[tilespmem:$0x18800] =	vst v63  }
0x31: {  	s24 =	ssub.s32 s24, s25;
	_ =	swait.ge [sflag:s19], $0x8000  }
0x32: {  	s24 =	smax.u32 s24, $0x1;
	[sflag:s19] =	ssyncset.done $0x0  }
0x33: {  	p0 =	sne.s32 s24, $0x1;
	[sflag:s19] =	ssyncadd.s32 $0xFFFF8000  }
.Ltmp0:
0x34: {  	_ =	swait.ge [sflag:s19], $0x8000;
	(pc) =	sbr.rel @!p0 .LBB2_2-.Ltmp0, $4  }
0x35: {  	[sflag:s19] =	ssyncset.done $0x0  }
0x36: {  	[sflag:s19] =	ssyncadd.s32 $0xFFFF8000  }
0x37: {  	_ =	swait.ge [sflag:s19], $0x8000  }
0x38: {  	s24 =	sadd.s32 $0xFFFFFFFF, s24;
	[sflag:s19] =	ssyncset.done $0x0  }
.LBB2_1:
0x39: {  	p0 =	sne.s32 s24, $0x1;
	s24 =	sadd.s32 $0xFFFFFFFF, s24;
	[sflag:s19] =	ssyncadd.s32 $0xFFFF8000  }
0x3a: {  	[tilespmem:s2], [sflag:$0x3] =	stream.linear.gather [hbm4b:s3+s2], $0x200, $0x38;
	[tilespmem:$0x18800] =	vst v63  }
0x3b: {  	_ =	swait.ge [sflag:s4], $0x200  }
0x3c: {  	[sflag:s4] =	ssyncset.done $0x0  }
0x3d: {  	[sflag:s4] =	ssyncadd.s32 $0xFFFFFE00  }
0x3e: {  	[tilespmem:s6], [sflag:$0x3] =	stream.linear.gather [hbm4b:s5+s2], $0x200, $0x38;
	[tilespmem:$0x18800] =	vst v63  }
0x3f: {  	_ =	swait.ge [sflag:s4], $0x200  }
0x40: {  	[sflag:s4] =	ssyncset.done $0x0  }
0x41: {  	[sflag:s4] =	ssyncadd.s32 $0xFFFFFE00  }
0x42: {  	[tilespmem:s8], [sflag:$0x3] =	stream.linear.gather [hbm4b:s7+s2], $0x200, $0x38;
	[tilespmem:$0x18800] =	vst v63  }
0x43: {  	_ =	swait.ge [sflag:s4], $0x200  }
0x44: {  	[sflag:s4] =	ssyncset.done $0x0  }
0x45: {  	[sflag:s4] =	ssyncadd.s32 $0xFFFFFE00  }
0x46: {  	[tilespmem:s10], [sflag:$0x3] =	stream.linear.gather [hbm4b:s9+s2], $0x200, $0x38;
	[tilespmem:$0x18800] =	vst v63  }
0x47: {  	_ =	swait.ge [sflag:s4], $0x200  }
0x48: {  	[sflag:s4] =	ssyncset.done $0x0  }
0x49: {  	[sflag:s4] =	ssyncadd.s32 $0xFFFFFE00  }
0x4a: {  	[tilespmem:s12], [sflag:$0x1] =	stream.indirect.gather [hbm4b:s11+s6], $0x40, s2, s6, $0xb8;
	[tilespmem:$0x18800] =	vst v63  }
0x4b: {  	_ = 	snop  }
0x4c: {  	[tilespmem:s14], [sflag:$0x1] =	stream.indirect.gather [hbm4b:s13+s6], $0x40, s6, s6, $0xb8;
	[tilespmem:$0x18800] =	vst v63  }
0x4d: {  	_ = 	snop  }
0x4e: {  	[tilespmem:s16], [sflag:$0x1] =	stream.indirect.gather [hbm4b:s15+s6], $0x40, s8, s6, $0xb8;
	[tilespmem:$0x18800] =	vst v63  }
0x4f: {  	_ =	swait.ge [sflag:s17], $0x8000  }
0x50: {  	[sflag:s17] =	ssyncset.done $0x0  }
0x51: {  	[sflag:s17] =	ssyncadd.s32 $0xFFFF8000  }
0x52: {  	[hbm4b:s18+s2] =	stream.linear.scatter [tilespmem:s12], [sflag:$0x2], $0x8000, $0x38;
	[tilespmem:$0x18800] =	vst v63  }
0x53: {  	_ =	swait.ge [sflag:s17], $0x8000  }
0x54: {  	[sflag:s17] =	ssyncset.done $0x0  }
0x55: {  	[sflag:s17] =	ssyncadd.s32 $0xFFFF8000  }
0x56: {  	[hbm4b:s20+s2] =	stream.linear.scatter [tilespmem:s14], [sflag:$0x2], $0x8000, $0x38;
	[tilespmem:$0x18800] =	vst v63  }
0x57: {  	_ =	swait.ge [sflag:s19], $0x8000  }
0x58: {  	[sflag:s19] =	ssyncset.done $0x0  }
0x59: {  	[sflag:s19] =	ssyncadd.s32 $0xFFFF8000  }
0x5a: {  	[tilespmem:s12], [sflag:$0x1] =	stream.indirect.gather [hbm4b:s21+s6], $0x40, s10, s6, $0xb8;
	[tilespmem:$0x18800] =	vst v63  }
0x5b: {  	_ =	swait.ge [sflag:s17], $0x8000  }
0x5c: {  	[sflag:s17] =	ssyncset.done $0x0  }
0x5d: {  	[sflag:s17] =	ssyncadd.s32 $0xFFFF8000  }
0x5e: {  	[hbm4b:s22+s2] =	stream.linear.scatter [tilespmem:s16], [sflag:$0x2], $0x8000, $0x38;
	[tilespmem:$0x18800] =	vst v63  }
0x5f: {  	_ =	swait.ge [sflag:s17], $0x8000  }
0x60: {  	[sflag:s17] =	ssyncset.done $0x0  }
0x61: {  	[sflag:s17] =	ssyncadd.s32 $0xFFFF8000  }
0x62: {  	[hbm4b:s23+s2] =	stream.linear.scatter [tilespmem:s12], [sflag:$0x2], $0x8000, $0x38;
	[tilespmem:$0x18800] =	vst v63  }
0x63: {  	_ =	swait.ge [sflag:s19], $0x8000  }
0x64: {  	[sflag:s19] =	ssyncset.done $0x0  }
0x65: {  	[sflag:s19] =	ssyncadd.s32 $0xFFFF8000  }
.Ltmp1:
0x66: {  	_ =	swait.ge [sflag:s19], $0x8000;
	(pc) =	sbr.rel @p0 .LBB2_1-.Ltmp1, $4  }
0x67: {  	[sflag:s19] =	ssyncset.done $0x0  }
0x68: {  	[sflag:s19] =	ssyncadd.s32 $0xFFFF8000  }
0x69: {  	_ =	swait.ge [sflag:s19], $0x8000  }
0x6a: {  	[sflag:s19] =	ssyncset.done $0x0  }
.LBB2_2:
0x6b: {  	[sflag:s19] =	ssyncadd.s32 $0xFFFF8000  }
0x6c: {  	_ =	sfence.sel $0x180000  }
0x6d: {  	[bflag:$0x0] =	sbarrier.arrive $0xFFFF  }
0x6e: {  	p0 =	sne.s32 s0, $0x0;
	_ =	strace $0x90000047  }
0x6f: {  	s0 =	sadd.s32 @!p0 $0x100000, s1;
	[bflag:$0x2] =	sbarrier.arrive $0xFFFF  }
0x70: {  	[sflag:s0] =	ssyncadd.tile.s32 @!p0 $0x1;
	_ =	shalt  }
.Lfunc_end2:
_tile_overlayer_lowered:
.L_overlay_start_2:
0x71: {  	(tag) =	ssettag $0x2  }
0x72: {  	s0 =	rddreg [dreg:$0x0];
	s2 =	stileid.u32  }
0x73: {  	s1 =	rddreg [dreg:$0x1];
	p0 =	sne.s32 s2, $0x0  }
0x74: {  	s3 =	rddreg [dreg:$0x2];
	[bflag:$0x3] =	sbarrier.arrive $0xFFFF;
	s2 =	simm.s32 @!p0 $0x1C03  }
0x75: {  	[timem:s3], [sflag:s2] =	dma.local @!p0 [hbm:s0], s1  }
0x76: {  	s0 =	simm.s32 @!p0 $0x3  }
0x77: {  	_ =	swait.ge @!p0 [sflag:s0], s1  }
0x78: {  	s1 =	ssub.s32 @!p0 $0x0, s1;
	[sflag:s0] =	ssyncset.done @!p0 $0x0  }
0x79: {  	[sflag:s0] =	ssyncadd.s32 @!p0 s1  }
0x7a: {  	[bflag:$0x3] =	sbarrier.arrive $0xFFFF  }
0x7b: {  	_ =	shalt  }

</sc_bundles>
